<compile_context>
chip_gen: v7x
topology: tpu7x:2x2x1
jax: 0.10.2.dev20260603
libtpu: 0.0.44.dev20260713+nightly
codegen_flags: <defaults>
</compile_context>

<pallas_src>
import functools

import jax
import jax.numpy as jnp
from jax import lax
from jax.experimental import pallas as pl
from jax.experimental.pallas import tpu as pltpu
from jax.experimental.pallas import tpu_sc as plsc

_NUM_SC = 2
_NUM_TILES = 16
_NW = _NUM_SC * _NUM_TILES
_CH = 80
_NBUF = 4
_IBUF = 6


def _mesh():
    return plsc.VectorSubcoreMesh(core_axis_name="c", subcore_axis_name="s")


def _pad_rows(n):
    return ((n + 1 + _NUM_TILES * _CH - 1) // (_NUM_TILES * _CH)) \
        * _NUM_TILES * _CH


def _tc_matmul(x, w):
    def body(x_ref, w_ref, o_ref):
        o_ref[...] = lax.dot(
            x_ref[...], w_ref[...],
            precision=lax.Precision.HIGHEST,
            preferred_element_type=jnp.float32,
        )

    return pl.pallas_call(
        body,
        out_shape=jax.ShapeDtypeStruct((x.shape[0], w.shape[1]), jnp.float32),
    )(x, w)


def _sc_degree(ei, n):
    e = ei.shape[1]
    ct = 128
    nc = e // ct
    rnd = -(-nc // _NW)
    pad = _pad_rows(n)
    zpt = pad // _NUM_TILES // 128

    @functools.partial(
        pl.kernel,
        out_type=[jax.ShapeDtypeStruct((pad,), jnp.float32),
                  jax.ShapeDtypeStruct((pad,), jnp.float32),
                  jax.ShapeDtypeStruct((e,), jnp.int32),
                  jax.ShapeDtypeStruct((e,), jnp.int32)],
        mesh=_mesh(),
        scratch_types=[
            pltpu.VMEM_SHARED((pad,), jnp.float32),
            pltpu.VMEM((rnd, 2, ct), jnp.int32),
            pltpu.VMEM((rnd, ct), jnp.int32),
            pltpu.VMEM((rnd, ct), jnp.int32),
            pltpu.VMEM((ct,), jnp.float32),
            pltpu.VMEM((128,), jnp.float32),
            pltpu.SemaphoreType.DMA,
            pltpu.SemaphoreType.DMA,
        ],
    )
    def deg_kernel(ei_hbm, out0_hbm, out1_hbm, rows_hbm, colp_hbm, dacc,
                   ebuf, pbuf, ibuf, ones, stage, sem, psem):
        cid = lax.axis_index("c")
        sid = lax.axis_index("s")
        wid = cid * _NUM_TILES + sid

        @pl.loop(0, rnd)
        def _(k):
            ch = wid + k * _NW

            @pl.when(ch < nc)
            def _():
                pltpu.async_copy(ei_hbm.at[:, pl.ds(ch * ct, ct)],
                                 ebuf.at[k], sem)

        @pl.loop(0, 128 // 16)
        def _(i):
            stage[pl.ds(i * 16, 16)] = jnp.zeros((16,), jnp.float32)

        @pl.loop(0, ct // 16)
        def _(i):
            ones[pl.ds(i * 16, 16)] = jnp.full((16,), 1.0, jnp.float32)

        @pl.loop(0, zpt)
        def _(k):
            pltpu.sync_copy(stage,
                            dacc.at[pl.ds((sid * zpt + k) * 128, 128)])

        plsc.subcore_barrier()

        @pl.loop(0, rnd)
        def _(k):
            ch = wid + k * _NW

            @pl.when(ch < nc)
            def _():
                pltpu.make_async_copy(ei_hbm.at[:, pl.ds(ch * ct, ct)],
                                      ebuf.at[k], sem).wait()

                @pl.loop(0, ct // 16)
                def _(i):
                    sl = pl.ds(i * 16, 16)
                    r = ebuf[k, 0, sl]
                    c = ebuf[k, 1, sl]
                    ibuf[k, sl] = jnp.where(r == c, n, r)
                    pbuf[k, sl] = jnp.where(r == c, n, c)

                pltpu.async_copy(ebuf.at[k, 0],
                                 rows_hbm.at[pl.ds(ch * ct, ct)], psem)
                pltpu.async_copy(pbuf.at[k],
                                 colp_hbm.at[pl.ds(ch * ct, ct)], psem)
                pltpu.async_copy(ones, dacc.at[ibuf.at[k]], sem, add=True)

        @pl.loop(0, rnd)
        def _(k):
            ch = wid + k * _NW

            @pl.when(ch < nc)
            def _():
                pltpu.make_async_copy(ones, dacc.at[ibuf.at[k]], sem).wait()
                pltpu.make_async_copy(ebuf.at[k, 0],
                                      rows_hbm.at[pl.ds(ch * ct, ct)],
                                      psem).wait()
                pltpu.make_async_copy(pbuf.at[k],
                                      colp_hbm.at[pl.ds(ch * ct, ct)],
                                      psem).wait()

        plsc.subcore_barrier()

        @pl.loop(0, zpt)
        def _(k):
            off = (sid * zpt + k) * 128
            pltpu.sync_copy(dacc.at[pl.ds(off, 128)], stage)

            @pl.when(cid == 0)
            def _():
                pltpu.sync_copy(stage, out0_hbm.at[pl.ds(off, 128)])

            @pl.when(cid == 1)
            def _():
                pltpu.sync_copy(stage, out1_hbm.at[pl.ds(off, 128)])

    return deg_kernel(ei)


def _tc_scale(d0, d1, xw):
    n = xw.shape[0]

    def body(d0_ref, d1_ref, xw_ref, y_ref, dc_ref):
        deg = d0_ref[...] + d1_ref[...] + 1.0
        dinv = lax.rsqrt(deg)
        dcol = dinv[:n].reshape(n, 1)
        dc_ref[...] = dcol
        y_ref[...] = xw_ref[...] * dcol

    return pl.pallas_call(
        body,
        out_shape=[jax.ShapeDtypeStruct(xw.shape, jnp.float32),
                   jax.ShapeDtypeStruct((n, 1), jnp.float32)],
    )(d0, d1, xw)


def _sc_scatter(rows_arr, colp, y):
    e = rows_arr.shape[0]
    n, d = y.shape
    epw = e // _NW
    nch = epw // _CH
    pad = _pad_rows(n)
    zpt = pad // _NUM_TILES // _CH
    wch = -(-(n // _CH) // _NUM_TILES)

    @functools.partial(
        pl.kernel,
        out_type=[jax.ShapeDtypeStruct((n, d), jnp.float32),
                  jax.ShapeDtypeStruct((n, d), jnp.float32)],
        mesh=_mesh(),
        scratch_types=[
            pltpu.VMEM_SHARED((pad, d), jnp.float32),
            pltpu.VMEM((_IBUF, _CH), jnp.int32),
            pltpu.VMEM((_IBUF, _CH), jnp.int32),
            pltpu.VMEM((_NBUF, _CH, d), jnp.float32),
            pltpu.SemaphoreType.DMA,
            pltpu.SemaphoreType.DMA,
            pltpu.SemaphoreType.DMA,
        ],
    )
    def main_kernel(ri_hbm, colp_hbm, y_hbm, out0_hbm, out1_hbm, acc,
                    rbuf, cbuf, rows, isem, gsem, ssem):
        cid = lax.axis_index("c")
        sid = lax.axis_index("s")
        wid = cid * _NUM_TILES + sid
        base = wid * epw

        def i_issue(j, bi):
            pltpu.async_copy(ri_hbm.at[pl.ds(base + j * _CH, _CH)],
                             rbuf.at[bi], isem)
            pltpu.async_copy(colp_hbm.at[pl.ds(base + j * _CH, _CH)],
                             cbuf.at[bi], isem)

        def i_wait(j, bi):
            pltpu.make_async_copy(ri_hbm.at[pl.ds(base + j * _CH, _CH)],
                                  rbuf.at[bi], isem).wait()
            pltpu.make_async_copy(colp_hbm.at[pl.ds(base + j * _CH, _CH)],
                                  cbuf.at[bi], isem).wait()

        def g_issue(bi, b):
            pltpu.async_copy(y_hbm.at[rbuf.at[bi]], rows.at[b], gsem)

        def g_wait(bi, b):
            pltpu.make_async_copy(y_hbm.at[rbuf.at[bi]], rows.at[b],
                                  gsem).wait()

        def s_issue(bi, b):
            pltpu.async_copy(rows.at[b], acc.at[cbuf.at[bi]], ssem, add=True)

        def s_wait(bi, b):
            pltpu.make_async_copy(rows.at[b], acc.at[cbuf.at[bi]],
                                  ssem).wait()

        for j in range(5):
            i_issue(j, j)

        zb = _NBUF - 1

        @pl.loop(0, _CH)
        def _(r):
            @pl.loop(0, d // 16)
            def _(i):
                rows[zb, r, pl.ds(i * 16, 16)] = jnp.zeros((16,),
                                                           jnp.float32)

        @pl.loop(0, zpt)
        def _(k):
            pltpu.async_copy(
                rows.at[zb], acc.at[pl.ds((sid * zpt + k) * _CH, _CH)], ssem)

        for j in range(3):
            i_wait(j, j)
            g_issue(j, j)

        @pl.loop(0, zpt)
        def _(k):
            pltpu.make_async_copy(
                rows.at[zb], acc.at[pl.ds((sid * zpt + k) * _CH, _CH)],
                ssem).wait()

        plsc.subcore_barrier()

        @pl.loop(0, nch)
        def _(j):
            b = lax.rem(j, _NBUF)
            bi = lax.rem(j, _IBUF)
            g_wait(bi, b)
            s_issue(bi, b)

            @pl.when(j >= 1)
            def _():
                s_wait(lax.rem(j - 1, _IBUF), lax.rem(j - 1, _NBUF))

            @pl.when(j + 3 < nch)
            def _():
                bi3 = lax.rem(j + 3, _IBUF)
                i_wait(j + 3, bi3)
                g_issue(bi3, lax.rem(j + 3, _NBUF))

            @pl.when(j + 5 < nch)
            def _():
                i_issue(j + 5, lax.rem(j + 5, _IBUF))

        s_wait(lax.rem(nch - 1, _IBUF), lax.rem(nch - 1, _NBUF))
        plsc.subcore_barrier()

        @pl.loop(0, wch)
        def _(k):
            ch = sid + k * _NUM_TILES

            @pl.when(ch * _CH < n)
            def _():
                @pl.when(cid == 0)
                def _():
                    pltpu.async_copy(acc.at[pl.ds(ch * _CH, _CH)],
                                     out0_hbm.at[pl.ds(ch * _CH, _CH)], ssem)

                @pl.when(cid == 1)
                def _():
                    pltpu.async_copy(acc.at[pl.ds(ch * _CH, _CH)],
                                     out1_hbm.at[pl.ds(ch * _CH, _CH)], ssem)

        @pl.loop(0, wch)
        def _(k):
            ch = sid + k * _NUM_TILES

            @pl.when(ch * _CH < n)
            def _():
                @pl.when(cid == 0)
                def _():
                    pltpu.make_async_copy(
                        acc.at[pl.ds(ch * _CH, _CH)],
                        out0_hbm.at[pl.ds(ch * _CH, _CH)], ssem).wait()

                @pl.when(cid == 1)
                def _():
                    pltpu.make_async_copy(
                        acc.at[pl.ds(ch * _CH, _CH)],
                        out1_hbm.at[pl.ds(ch * _CH, _CH)], ssem).wait()

    return main_kernel(rows_arr, colp, y)


def _tc_finish(dc, y, acc0, acc1, b):
    def body(dc_ref, y_ref, a0_ref, a1_ref, b_ref, o_ref):
        s = a0_ref[...] + a1_ref[...] + y_ref[...]
        o_ref[...] = jnp.maximum(s * dc_ref[...] + b_ref[...], 0.0)

    return pl.pallas_call(
        body,
        out_shape=jax.ShapeDtypeStruct(y.shape, jnp.float32),
    )(dc, y, acc0, acc1, b)


def kernel(x, homo_edge_index, W0, b0):
    n = x.shape[0]
    deg0, deg1, rows_arr, colp = _sc_degree(homo_edge_index, n)
    xw = _tc_matmul(x, W0)
    y, dc = _tc_scale(deg0, deg1, xw)
    acc0, acc1 = _sc_scatter(rows_arr, colp, y)
    return _tc_finish(dc, y, acc0, acc1, b0.reshape(1, -1))

# --- scband reference (transcript-rebuilt; emitter-appended) ---
"""Pipeline reference for scband-grip-net-super-vertex-6416681140879 (READ-ONLY COPY).

The authoritative reference and input builder live on the scoring server;
editing this copy changes nothing except your own understanding.
"""

import jax, jax.numpy as jnp
import numpy as np

N = 10000
E = 320000
D_IN = 128
D_OUT = 128


def setup_inputs(seed: int = 0) -> dict:
    key = jax.random.key(seed)
    k1, k2, k3 = jax.random.split(key, 3)
    x = jax.random.normal(k1, (N, D_IN), dtype=jnp.float32)
    homo_edge_index = jax.random.randint(k2, (2, E), 0, N, dtype=jnp.int32)
    # GCNEncoderLayer params (glorot-style init for weight, zeros for bias)
    W0 = jax.random.normal(k3, (D_IN, D_OUT), dtype=jnp.float32) * (1.0 / np.sqrt(D_IN))
    b0 = jnp.zeros((D_OUT,), dtype=jnp.float32)
    return {"x": x, "homo_edge_index": homo_edge_index, "W0": W0, "b0": b0}


def _gcn_encoder_layer(x, edge_index, W, b):
    # Faithful port of pykale GCNEncoderLayer (PyG GCNConv, improved=False):
    #   x' = x @ W; add remaining self-loops (drop existing self-loop edges,
    #   append one self-loop per node with weight 1); symmetric normalization;
    #   sum-aggregate messages norm * x_j (x_j = x[source], aggregated at target); + bias.
    num_nodes = x.shape[0]
    x = x @ W
    row = edge_index[0]
    col = edge_index[1]
    # add_remaining_self_loops with fill_value=1 and unit edge weights:
    # existing self-loop edges are dropped (weight 0 keeps shapes static) and
    # exactly one self-loop with weight 1 is appended for every node.
    ew = (row != col).astype(x.dtype)
    loop = jnp.arange(num_nodes, dtype=edge_index.dtype)
    row_f = jnp.concatenate([row, loop])
    col_f = jnp.concatenate([col, loop])
    ew_f = jnp.concatenate([ew, jnp.ones((num_nodes,), dtype=x.dtype)])
    deg = jax.ops.segment_sum(ew_f, row_f, num_segments=num_nodes)
    deg_inv_sqrt = jnp.where(deg > 0, jnp.power(jnp.maximum(deg, 1e-12), -0.5), 0.0)
    norm = deg_inv_sqrt[row_f] * ew_f * deg_inv_sqrt[col_f]
    msgs = norm[:, None] * jnp.take(x, row_f, axis=0)
    out = jax.ops.segment_sum(msgs, col_f, num_segments=num_nodes)
    return out + b


def reference(x, homo_edge_index, W0, b0):
    # GripNetSuperVertex.forward with start_graph=False, multi_relational=False,
    # nhid_list=[128,128] -> single GCNEncoderLayer followed by relu, if_catout=False.
    h = _gcn_encoder_layer(x, homo_edge_index, W0, b0)
    h = jax.nn.relu(h)
    return h

if __name__ == "__main__":
    import jax
    _d = setup_inputs()
    print(jax.jit(kernel)(*tuple(_d.values())))

</pallas_src>

<mosaic_0001>
#map = affine_map<(d0, d1) -> (0)>
#map1 = affine_map<(d0, d1) -> (0, 0)>
module attributes {stable_mosaic.version = 14 : i64} {
  func.func @main_kernel(%arg0: i32, %arg1: i32, %arg2: memref<320000xi32, #tpu.memory_space<hbm>>, %arg3: memref<320000xi32, #tpu.memory_space<hbm>>, %arg4: memref<10000x128xf32, #tpu.memory_space<hbm>>, %arg5: memref<10000x128xf32, #tpu.memory_space<hbm>>, %arg6: memref<10000x128xf32, #tpu.memory_space<hbm>>, %arg7: memref<10240x128xf32, #tpu.memory_space<vmem_shared>>, %arg8: memref<6x80xi32, #tpu.memory_space<vmem>>, %arg9: memref<6x80xi32, #tpu.memory_space<vmem>>, %arg10: memref<4x80x128xf32, #tpu.memory_space<vmem>>, %arg11: memref<!tpu.dma_semaphore, #tpu.memory_space<semaphore_mem>>, %arg12: memref<!tpu.dma_semaphore, #tpu.memory_space<semaphore_mem>>, %arg13: memref<!tpu.dma_semaphore, #tpu.memory_space<semaphore_mem>>) attributes {dimension_semantics = [#tpu.dimension_semantics<core_parallel>, #tpu.dimension_semantics<subcore_parallel>], iteration_bounds = array<i64: 2, 16>, scalar_prefetch = 0 : i64, scratch_operands = 7 : i64, tpu.core_type = #tpu.core_type<sc_vector_subcore>, window_params = [{transform_indices = #map}, {transform_indices = #map}, {transform_indices = #map1}, {transform_indices = #map1}, {transform_indices = #map1}]} {
    %mul3A = arith.constant 16 : i32
    %mul3A_0 = arith.muli %arg0, %mul3A : i32
    %add3A = arith.addi %mul3A_0, %arg1 : i32
    %mul3A_1 = arith.constant 10000 : i32
    %mul3A_2 = arith.muli %add3A, %mul3A_1 : i32
    %add3A_3 = arith.constant 0 : i32
    %add3A_4 = arith.addi %mul3A_2, %add3A_3 : i32
    %dma_start3A = arith.constant 0 : i32
    %dma_start3A_5 = arith.constant 0 : i32
    %dma_start3A_6 = tpu.memref_slice %arg8[%dma_start3A, %dma_start3A_5] : memref<6x80xi32, #tpu.memory_space<vmem>> -> memref<1x80xi32, #tpu.memory_space<vmem>>
    %dma_start3A_7 = tpu.memref_squeeze %dma_start3A_6 : memref<1x80xi32, #tpu.memory_space<vmem>> -> memref<80xi32, #tpu.memory_space<vmem>>
    %dma_start3A_8 = tpu.memref_slice %arg2[%add3A_4] : memref<320000xi32, #tpu.memory_space<hbm>> -> memref<80xi32, #tpu.memory_space<hbm>>
    %dma_start3A_9 = arith.constant 0 : i32
    %dma_start3A_10 = tpu.memref_slice %arg8[%dma_start3A, %dma_start3A_9] : memref<6x80xi32, #tpu.memory_space<vmem>> -> memref<1x80xi32, #tpu.memory_space<vmem>>
    %dma_start3A_11 = tpu.memref_squeeze %dma_start3A_10 : memref<1x80xi32, #tpu.memory_space<vmem>> -> memref<80xi32, #tpu.memory_space<vmem>>
    %dma_start3A_12 = tpu.memref_slice %arg2[%add3A_4] : memref<320000xi32, #tpu.memory_space<hbm>> -> memref<80xi32, #tpu.memory_space<hbm>>
    tpu.enqueue_dma source(%dma_start3A_12 : memref<80xi32, #tpu.memory_space<hbm>>) target(%dma_start3A_11 : memref<80xi32, #tpu.memory_space<vmem>>) target_semaphore(%arg11 : memref<!tpu.dma_semaphore, #tpu.memory_space<semaphore_mem>>)
    %add3A_13 = arith.constant 0 : i32
    %add3A_14 = arith.addi %mul3A_2, %add3A_13 : i32
    %dma_start3A_15 = arith.constant 0 : i32
    %dma_start3A_16 = arith.constant 0 : i32
    %dma_start3A_17 = tpu.memref_slice %arg9[%dma_start3A_15, %dma_start3A_16] : memref<6x80xi32, #tpu.memory_space<vmem>> -> memref<1x80xi32, #tpu.memory_space<vmem>>
    %dma_start3A_18 = tpu.memref_squeeze %dma_start3A_17 : memref<1x80xi32, #tpu.memory_space<vmem>> -> memref<80xi32, #tpu.memory_space<vmem>>
    %dma_start3A_19 = tpu.memref_slice %arg3[%add3A_14] : memref<320000xi32, #tpu.memory_space<hbm>> -> memref<80xi32, #tpu.memory_space<hbm>>
    %dma_start3A_20 = arith.constant 0 : i32
    %dma_start3A_21 = tpu.memref_slice %arg9[%dma_start3A_15, %dma_start3A_20] : memref<6x80xi32, #tpu.memory_space<vmem>> -> memref<1x80xi32, #tpu.memory_space<vmem>>
    %dma_start3A_22 = tpu.memref_squeeze %dma_start3A_21 : memref<1x80xi32, #tpu.memory_space<vmem>> -> memref<80xi32, #tpu.memory_space<vmem>>
    %dma_start3A_23 = tpu.memref_slice %arg3[%add3A_14] : memref<320000xi32, #tpu.memory_space<hbm>> -> memref<80xi32, #tpu.memory_space<hbm>>
    tpu.enqueue_dma source(%dma_start3A_23 : memref<80xi32, #tpu.memory_space<hbm>>) target(%dma_start3A_22 : memref<80xi32, #tpu.memory_space<vmem>>) target_semaphore(%arg11 : memref<!tpu.dma_semaphore, #tpu.memory_space<semaphore_mem>>)
    %add3A_24 = arith.constant 80 : i32
    %add3A_25 = arith.addi %mul3A_2, %add3A_24 : i32
    %dma_start3A_26 = arith.constant 1 : i32
    %dma_start3A_27 = arith.constant 0 : i32
    %dma_start3A_28 = tpu.memref_slice %arg8[%dma_start3A_26, %dma_start3A_27] : memref<6x80xi32, #tpu.memory_space<vmem>> -> memref<1x80xi32, #tpu.memory_space<vmem>>
    %dma_start3A_29 = tpu.memref_squeeze %dma_start3A_28 : memref<1x80xi32, #tpu.memory_space<vmem>> -> memref<80xi32, #tpu.memory_space<vmem>>
    %dma_start3A_30 = tpu.memref_slice %arg2[%add3A_25] : memref<320000xi32, #tpu.memory_space<hbm>> -> memref<80xi32, #tpu.memory_space<hbm>>
    %dma_start3A_31 = arith.constant 0 : i32
    %dma_start3A_32 = tpu.memref_slice %arg8[%dma_start3A_26, %dma_start3A_31] : memref<6x80xi32, #tpu.memory_space<vmem>> -> memref<1x80xi32, #tpu.memory_space<vmem>>
    %dma_start3A_33 = tpu.memref_squeeze %dma_start3A_32 : memref<1x80xi32, #tpu.memory_space<vmem>> -> memref<80xi32, #tpu.memory_space<vmem>>
    %dma_start3A_34 = tpu.memref_slice %arg2[%add3A_25] : memref<320000xi32, #tpu.memory_space<hbm>> -> memref<80xi32, #tpu.memory_space<hbm>>
    tpu.enqueue_dma source(%dma_start3A_34 : memref<80xi32, #tpu.memory_space<hbm>>) target(%dma_start3A_33 : memref<80xi32, #tpu.memory_space<vmem>>) target_semaphore(%arg11 : memref<!tpu.dma_semaphore, #tpu.memory_space<semaphore_mem>>)
    %add3A_35 = arith.constant 80 : i32
    %add3A_36 = arith.addi %mul3A_2, %add3A_35 : i32
    %dma_start3A_37 = arith.constant 1 : i32
    %dma_start3A_38 = arith.constant 0 : i32
    %dma_start3A_39 = tpu.memref_slice %arg9[%dma_start3A_37, %dma_start3A_38] : memref<6x80xi32, #tpu.memory_space<vmem>> -> memref<1x80xi32, #tpu.memory_space<vmem>>
    %dma_start3A_40 = tpu.memref_squeeze %dma_start3A_39 : memref<1x80xi32, #tpu.memory_space<vmem>> -> memref<80xi32, #tpu.memory_space<vmem>>
    %dma_start3A_41 = tpu.memref_slice %arg3[%add3A_36] : memref<320000xi32, #tpu.memory_space<hbm>> -> memref<80xi32, #tpu.memory_space<hbm>>
    %dma_start3A_42 = arith.constant 0 : i32
    %dma_start3A_43 = tpu.memref_slice %arg9[%dma_start3A_37, %dma_start3A_42] : memref<6x80xi32, #tpu.memory_space<vmem>> -> memref<1x80xi32, #tpu.memory_space<vmem>>
    %dma_start3A_44 = tpu.memref_squeeze %dma_start3A_43 : memref<1x80xi32, #tpu.memory_space<vmem>> -> memref<80xi32, #tpu.memory_space<vmem>>
    %dma_start3A_45 = tpu.memref_slice %arg3[%add3A_36] : memref<320000xi32, #tpu.memory_space<hbm>> -> memref<80xi32, #tpu.memory_space<hbm>>
    tpu.enqueue_dma source(%dma_start3A_45 : memref<80xi32, #tpu.memory_space<hbm>>) target(%dma_start3A_44 : memref<80xi32, #tpu.memory_space<vmem>>) target_semaphore(%arg11 : memref<!tpu.dma_semaphore, #tpu.memory_space<semaphore_mem>>)
    %add3A_46 = arith.constant 160 : i32
    %add3A_47 = arith.addi %mul3A_2, %add3A_46 : i32
    %dma_start3A_48 = arith.constant 2 : i32
    %dma_start3A_49 = arith.constant 0 : i32
    %dma_start3A_50 = tpu.memref_slice %arg8[%dma_start3A_48, %dma_start3A_49] : memref<6x80xi32, #tpu.memory_space<vmem>> -> memref<1x80xi32, #tpu.memory_space<vmem>>
    %dma_start3A_51 = tpu.memref_squeeze %dma_start3A_50 : memref<1x80xi32, #tpu.memory_space<vmem>> -> memref<80xi32, #tpu.memory_space<vmem>>
    %dma_start3A_52 = tpu.memref_slice %arg2[%add3A_47] : memref<320000xi32, #tpu.memory_space<hbm>> -> memref<80xi32, #tpu.memory_space<hbm>>
    %dma_start3A_53 = arith.constant 0 : i32
    %dma_start3A_54 = tpu.memref_slice %arg8[%dma_start3A_48, %dma_start3A_53] : memref<6x80xi32, #tpu.memory_space<vmem>> -> memref<1x80xi32, #tpu.memory_space<vmem>>
    %dma_start3A_55 = tpu.memref_squeeze %dma_start3A_54 : memref<1x80xi32, #tpu.memory_space<vmem>> -> memref<80xi32, #tpu.memory_space<vmem>>
    %dma_start3A_56 = tpu.memref_slice %arg2[%add3A_47] : memref<320000xi32, #tpu.memory_space<hbm>> -> memref<80xi32, #tpu.memory_space<hbm>>
    tpu.enqueue_dma source(%dma_start3A_56 : memref<80xi32, #tpu.memory_space<hbm>>) target(%dma_start3A_55 : memref<80xi32, #tpu.memory_space<vmem>>) target_semaphore(%arg11 : memref<!tpu.dma_semaphore, #tpu.memory_space<semaphore_mem>>)
    %add3A_57 = arith.constant 160 : i32
    %add3A_58 = arith.addi %mul3A_2, %add3A_57 : i32
    %dma_start3A_59 = arith.constant 2 : i32
    %dma_start3A_60 = arith.constant 0 : i32
    %dma_start3A_61 = tpu.memref_slice %arg9[%dma_start3A_59, %dma_start3A_60] : memref<6x80xi32, #tpu.memory_space<vmem>> -> memref<1x80xi32, #tpu.memory_space<vmem>>
    %dma_start3A_62 = tpu.memref_squeeze %dma_start3A_61 : memref<1x80xi32, #tpu.memory_space<vmem>> -> memref<80xi32, #tpu.memory_space<vmem>>
    %dma_start3A_63 = tpu.memref_slice %arg3[%add3A_58] : memref<320000xi32, #tpu.memory_space<hbm>> -> memref<80xi32, #tpu.memory_space<hbm>>
    %dma_start3A_64 = arith.constant 0 : i32
    %dma_start3A_65 = tpu.memref_slice %arg9[%dma_start3A_59, %dma_start3A_64] : memref<6x80xi32, #tpu.memory_space<vmem>> -> memref<1x80xi32, #tpu.memory_space<vmem>>
    %dma_start3A_66 = tpu.memref_squeeze %dma_start3A_65 : memref<1x80xi32, #tpu.memory_space<vmem>> -> memref<80xi32, #tpu.memory_space<vmem>>
    %dma_start3A_67 = tpu.memref_slice %arg3[%add3A_58] : memref<320000xi32, #tpu.memory_space<hbm>> -> memref<80xi32, #tpu.memory_space<hbm>>
    tpu.enqueue_dma source(%dma_start3A_67 : memref<80xi32, #tpu.memory_space<hbm>>) target(%dma_start3A_66 : memref<80xi32, #tpu.memory_space<vmem>>) target_semaphore(%arg11 : memref<!tpu.dma_semaphore, #tpu.memory_space<semaphore_mem>>)
    %add3A_68 = arith.constant 240 : i32
    %add3A_69 = arith.addi %mul3A_2, %add3A_68 : i32
    %dma_start3A_70 = arith.constant 3 : i32
    %dma_start3A_71 = arith.constant 0 : i32
    %dma_start3A_72 = tpu.memref_slice %arg8[%dma_start3A_70, %dma_start3A_71] : memref<6x80xi32, #tpu.memory_space<vmem>> -> memref<1x80xi32, #tpu.memory_space<vmem>>
    %dma_start3A_73 = tpu.memref_squeeze %dma_start3A_72 : memref<1x80xi32, #tpu.memory_space<vmem>> -> memref<80xi32, #tpu.memory_space<vmem>>
    %dma_start3A_74 = tpu.memref_slice %arg2[%add3A_69] : memref<320000xi32, #tpu.memory_space<hbm>> -> memref<80xi32, #tpu.memory_space<hbm>>
    %dma_start3A_75 = arith.constant 0 : i32
    %dma_start3A_76 = tpu.memref_slice %arg8[%dma_start3A_70, %dma_start3A_75] : memref<6x80xi32, #tpu.memory_space<vmem>> -> memref<1x80xi32, #tpu.memory_space<vmem>>
    %dma_start3A_77 = tpu.memref_squeeze %dma_start3A_76 : memref<1x80xi32, #tpu.memory_space<vmem>> -> memref<80xi32, #tpu.memory_space<vmem>>
    %dma_start3A_78 = tpu.memref_slice %arg2[%add3A_69] : memref<320000xi32, #tpu.memory_space<hbm>> -> memref<80xi32, #tpu.memory_space<hbm>>
    tpu.enqueue_dma source(%dma_start3A_78 : memref<80xi32, #tpu.memory_space<hbm>>) target(%dma_start3A_77 : memref<80xi32, #tpu.memory_space<vmem>>) target_semaphore(%arg11 : memref<!tpu.dma_semaphore, #tpu.memory_space<semaphore_mem>>)
    %add3A_79 = arith.constant 240 : i32
    %add3A_80 = arith.addi %mul3A_2, %add3A_79 : i32
    %dma_start3A_81 = arith.constant 3 : i32
    %dma_start3A_82 = arith.constant 0 : i32
    %dma_start3A_83 = tpu.memref_slice %arg9[%dma_start3A_81, %dma_start3A_82] : memref<6x80xi32, #tpu.memory_space<vmem>> -> memref<1x80xi32, #tpu.memory_space<vmem>>
    %dma_start3A_84 = tpu.memref_squeeze %dma_start3A_83 : memref<1x80xi32, #tpu.memory_space<vmem>> -> memref<80xi32, #tpu.memory_space<vmem>>
    %dma_start3A_85 = tpu.memref_slice %arg3[%add3A_80] : memref<320000xi32, #tpu.memory_space<hbm>> -> memref<80xi32, #tpu.memory_space<hbm>>
    %dma_start3A_86 = arith.constant 0 : i32
    %dma_start3A_87 = tpu.memref_slice %arg9[%dma_start3A_81, %dma_start3A_86] : memref<6x80xi32, #tpu.memory_space<vmem>> -> memref<1x80xi32, #tpu.memory_space<vmem>>
    %dma_start3A_88 = tpu.memref_squeeze %dma_start3A_87 : memref<1x80xi32, #tpu.memory_space<vmem>> -> memref<80xi32, #tpu.memory_space<vmem>>
    %dma_start3A_89 = tpu.memref_slice %arg3[%add3A_80] : memref<320000xi32, #tpu.memory_space<hbm>> -> memref<80xi32, #tpu.memory_space<hbm>>
    tpu.enqueue_dma source(%dma_start3A_89 : memref<80xi32, #tpu.memory_space<hbm>>) target(%dma_start3A_88 : memref<80xi32, #tpu.memory_space<vmem>>) target_semaphore(%arg11 : memref<!tpu.dma_semaphore, #tpu.memory_space<semaphore_mem>>)
    %add3A_90 = arith.constant 320 : i32
    %add3A_91 = arith.addi %mul3A_2, %add3A_90 : i32
    %dma_start3A_92 = arith.constant 4 : i32
    %dma_start3A_93 = arith.constant 0 : i32
    %dma_start3A_94 = tpu.memref_slice %arg8[%dma_start3A_92, %dma_start3A_93] : memref<6x80xi32, #tpu.memory_space<vmem>> -> memref<1x80xi32, #tpu.memory_space<vmem>>
    %dma_start3A_95 = tpu.memref_squeeze %dma_start3A_94 : memref<1x80xi32, #tpu.memory_space<vmem>> -> memref<80xi32, #tpu.memory_space<vmem>>
    %dma_start3A_96 = tpu.memref_slice %arg2[%add3A_91] : memref<320000xi32, #tpu.memory_space<hbm>> -> memref<80xi32, #tpu.memory_space<hbm>>
    %dma_start3A_97 = arith.constant 0 : i32
    %dma_start3A_98 = tpu.memref_slice %arg8[%dma_start3A_92, %dma_start3A_97] : memref<6x80xi32, #tpu.memory_space<vmem>> -> memref<1x80xi32, #tpu.memory_space<vmem>>
    %dma_start3A_99 = tpu.memref_squeeze %dma_start3A_98 : memref<1x80xi32, #tpu.memory_space<vmem>> -> memref<80xi32, #tpu.memory_space<vmem>>
    %dma_start3A_100 = tpu.memref_slice %arg2[%add3A_91] : memref<320000xi32, #tpu.memory_space<hbm>> -> memref<80xi32, #tpu.memory_space<hbm>>
    tpu.enqueue_dma source(%dma_start3A_100 : memref<80xi32, #tpu.memory_space<hbm>>) target(%dma_start3A_99 : memref<80xi32, #tpu.memory_space<vmem>>) target_semaphore(%arg11 : memref<!tpu.dma_semaphore, #tpu.memory_space<semaphore_mem>>)
    %add3A_101 = arith.constant 320 : i32
    %add3A_102 = arith.addi %mul3A_2, %add3A_101 : i32
    %dma_start3A_103 = arith.constant 4 : i32
    %dma_start3A_104 = arith.constant 0 : i32
    %dma_start3A_105 = tpu.memref_slice %arg9[%dma_start3A_103, %dma_start3A_104] : memref<6x80xi32, #tpu.memory_space<vmem>> -> memref<1x80xi32, #tpu.memory_space<vmem>>
    %dma_start3A_106 = tpu.memref_squeeze %dma_start3A_105 : memref<1x80xi32, #tpu.memory_space<vmem>> -> memref<80xi32, #tpu.memory_space<vmem>>
    %dma_start3A_107 = tpu.memref_slice %arg3[%add3A_102] : memref<320000xi32, #tpu.memory_space<hbm>> -> memref<80xi32, #tpu.memory_space<hbm>>
    %dma_start3A_108 = arith.constant 0 : i32
    %dma_start3A_109 = tpu.memref_slice %arg9[%dma_start3A_103, %dma_start3A_108] : memref<6x80xi32, #tpu.memory_space<vmem>> -> memref<1x80xi32, #tpu.memory_space<vmem>>
    %dma_start3A_110 = tpu.memref_squeeze %dma_start3A_109 : memref<1x80xi32, #tpu.memory_space<vmem>> -> memref<80xi32, #tpu.memory_space<vmem>>
    %dma_start3A_111 = tpu.memref_slice %arg3[%add3A_102] : memref<320000xi32, #tpu.memory_space<hbm>> -> memref<80xi32, #tpu.memory_space<hbm>>
    tpu.enqueue_dma source(%dma_start3A_111 : memref<80xi32, #tpu.memory_space<hbm>>) target(%dma_start3A_110 : memref<80xi32, #tpu.memory_space<vmem>>) target_semaphore(%arg11 : memref<!tpu.dma_semaphore, #tpu.memory_space<semaphore_mem>>)
    %scan3A = arith.constant 0 : i32
    %scan3A_112 = arith.constant 80 : i32
    %scan3A_113 = arith.addi %scan3A, %scan3A_112 : i32
    %scan3A_114 = arith.constant 1 : i32
    scf.for %scan3A_258 = %scan3A to %scan3A_113 step %scan3A_114  : i32 {
      %mul3A_259 = arith.constant 1 : i32
      %mul3A_260 = arith.muli %scan3A_258, %mul3A_259 : i32
      %add3A_261 = arith.constant 0 : i32
      %add3A_262 = arith.addi %add3A_261, %mul3A_260 : i32
      %scan3A_263 = arith.constant 0 : i32
      %scan3A_264 = arith.constant 8 : i32
      %scan3A_265 = arith.addi %scan3A_263, %scan3A_264 : i32
      %scan3A_266 = arith.constant 1 : i32
      scf.for %scan3A_268 = %scan3A_263 to %scan3A_265 step %scan3A_266  : i32 {
        %mul3A_269 = arith.constant 1 : i32
        %mul3A_270 = arith.muli %scan3A_268, %mul3A_269 : i32
        %add3A_271 = arith.constant 0 : i32
        %add3A_272 = arith.addi %add3A_271, %mul3A_270 : i32
        %broadcast_in_dim3A = arith.constant 0.000000e+00 : f32
        %broadcast_in_dim3A_273 = vector.broadcast %broadcast_in_dim3A : f32 to vector<16xf32>
        %mul3A_274 = arith.constant 16 : i32
        %mul3A_275 = arith.muli %add3A_272, %mul3A_274 : i32
        %swap3A = arith.constant 3 : i32
        %swap3A_276 = arith.index_cast %swap3A : i32 to index
        %swap3A_277 = arith.index_cast %add3A_262 : i32 to index
        %swap3A_278 = arith.index_cast %mul3A_275 : i32 to index
        %swap3A_279 = tpu.vector_load %arg10[%swap3A_276, %swap3A_277, %swap3A_278] {strides = array<i32>} : memref<4x80x128xf32, #tpu.memory_space<vmem>>, vector<1x1x16xf32>,
        %swap3A_280 = vector.shape_cast %swap3A_279 : vector<1x1x16xf32> to vector<16xf32>
        %swap3A_281 = vector.shape_cast %broadcast_in_dim3A_273 : vector<16xf32> to vector<1x1x16xf32>
        tpu.vector_store %arg10[%swap3A_276, %swap3A_277, %swap3A_278], %swap3A_281 {strides = array<i32>} : memref<4x80x128xf32, #tpu.memory_space<vmem>>, vector<1x1x16xf32>,
      }
      %scan3A_267 = arith.constant 8 : i32
    }
    %scan3A_115 = arith.constant 80 : i32
    %scan3A_116 = arith.constant 0 : i32
    %scan3A_117 = arith.constant 8 : i32
    %scan3A_118 = arith.addi %scan3A_116, %scan3A_117 : i32
    %scan3A_119 = arith.constant 1 : i32
    scf.for %scan3A_258 = %scan3A_116 to %scan3A_118 step %scan3A_119  : i32 {
      %mul3A_259 = arith.constant 1 : i32
      %mul3A_260 = arith.muli %scan3A_258, %mul3A_259 : i32
      %add3A_261 = arith.constant 0 : i32
      %add3A_262 = arith.addi %add3A_261, %mul3A_260 : i32
      %mul3A_263 = arith.constant 8 : i32
      %mul3A_264 = arith.muli %arg1, %mul3A_263 : i32
      %add3A_265 = arith.addi %mul3A_264, %add3A_262 : i32
      %mul3A_266 = arith.constant 80 : i32
      %mul3A_267 = arith.muli %add3A_265, %mul3A_266 : i32
      %dma_start3A_268 = arith.constant 3 : i32
      %dma_start3A_269 = arith.constant 0 : i32
      %dma_start3A_270 = arith.constant 0 : i32
      %dma_start3A_271 = tpu.memref_slice %arg10[%dma_start3A_268, %dma_start3A_269, %dma_start3A_270] : memref<4x80x128xf32, #tpu.memory_space<vmem>> -> memref<1x80x128xf32, #tpu.memory_space<vmem>>
      %dma_start3A_272 = tpu.memref_squeeze %dma_start3A_271 : memref<1x80x128xf32, #tpu.memory_space<vmem>> -> memref<80x128xf32, #tpu.memory_space<vmem>>
      %dma_start3A_273 = arith.constant 0 : i32
      %dma_start3A_274 = tpu.memref_slice %arg7[%mul3A_267, %dma_start3A_273] : memref<10240x128xf32, #tpu.memory_space<vmem_shared>> -> memref<80x128xf32, #tpu.memory_space<vmem_shared>>
      %dma_start3A_275 = arith.constant 0 : i32
      %dma_start3A_276 = tpu.memref_slice %arg7[%mul3A_267, %dma_start3A_275] : memref<10240x128xf32, #tpu.memory_space<vmem_shared>> -> memref<80x128xf32, #tpu.memory_space<vmem_shared>>
      %dma_start3A_277 = arith.constant 0 : i32
      %dma_start3A_278 = arith.constant 0 : i32
      %dma_start3A_279 = tpu.memref_slice %arg10[%dma_start3A_268, %dma_start3A_277, %dma_start3A_278] : memref<4x80x128xf32, #tpu.memory_space<vmem>> -> memref<1x80x128xf32, #tpu.memory_space<vmem>>
      %dma_start3A_280 = tpu.memref_squeeze %dma_start3A_279 : memref<1x80x128xf32, #tpu.memory_space<vmem>> -> memref<80x128xf32, #tpu.memory_space<vmem>>
      tpu.enqueue_dma source(%dma_start3A_280 : memref<80x128xf32, #tpu.memory_space<vmem>>) target(%dma_start3A_276 : memref<80x128xf32, #tpu.memory_space<vmem_shared>>) target_semaphore(%arg13 : memref<!tpu.dma_semaphore, #tpu.memory_space<semaphore_mem>>)
    }
    %scan3A_120 = arith.constant 8 : i32
    %add3A_121 = arith.constant 0 : i32
    %add3A_122 = arith.addi %mul3A_2, %add3A_121 : i32
    %dma_wait3A = arith.constant 0 : i32
    %dma_wait3A_123 = arith.constant 0 : i32
    %dma_wait3A_124 = tpu.memref_slice %arg8[%dma_wait3A, %dma_wait3A_123] : memref<6x80xi32, #tpu.memory_space<vmem>> -> memref<1x80xi32, #tpu.memory_space<vmem>>
    %dma_wait3A_125 = tpu.memref_squeeze %dma_wait3A_124 : memref<1x80xi32, #tpu.memory_space<vmem>> -> memref<80xi32, #tpu.memory_space<vmem>>
    %dma_wait3A_126 = tpu.memref_slice %arg2[%add3A_122] : memref<320000xi32, #tpu.memory_space<hbm>> -> memref<80xi32, #tpu.memory_space<hbm>>
    %dma_wait3A_127 = arith.constant 0 : i32
    %dma_wait3A_128 = tpu.memref_slice %arg8[%dma_wait3A, %dma_wait3A_127] : memref<6x80xi32, #tpu.memory_space<vmem>> -> memref<1x80xi32, #tpu.memory_space<vmem>>
    %dma_wait3A_129 = tpu.memref_squeeze %dma_wait3A_128 : memref<1x80xi32, #tpu.memory_space<vmem>> -> memref<80xi32, #tpu.memory_space<vmem>>
    %dma_wait3A_130 = tpu.memref_slice %arg2[%add3A_122] : memref<320000xi32, #tpu.memory_space<hbm>> -> memref<80xi32, #tpu.memory_space<hbm>>
    tpu.wait_dma2 semaphore(%arg11 : memref<!tpu.dma_semaphore, #tpu.memory_space<semaphore_mem>>) src(%dma_wait3A_130 : memref<80xi32, #tpu.memory_space<hbm>>) dst(%dma_wait3A_129 : memref<80xi32, #tpu.memory_space<vmem>>)
    %add3A_131 = arith.constant 0 : i32
    %add3A_132 = arith.addi %mul3A_2, %add3A_131 : i32
    %dma_wait3A_133 = arith.constant 0 : i32
    %dma_wait3A_134 = arith.constant 0 : i32
    %dma_wait3A_135 = tpu.memref_slice %arg9[%dma_wait3A_133, %dma_wait3A_134] : memref<6x80xi32, #tpu.memory_space<vmem>> -> memref<1x80xi32, #tpu.memory_space<vmem>>
    %dma_wait3A_136 = tpu.memref_squeeze %dma_wait3A_135 : memref<1x80xi32, #tpu.memory_space<vmem>> -> memref<80xi32, #tpu.memory_space<vmem>>
    %dma_wait3A_137 = tpu.memref_slice %arg3[%add3A_132] : memref<320000xi32, #tpu.memory_space<hbm>> -> memref<80xi32, #tpu.memory_space<hbm>>
    %dma_wait3A_138 = arith.constant 0 : i32
    %dma_wait3A_139 = tpu.memref_slice %arg9[%dma_wait3A_133, %dma_wait3A_138] : memref<6x80xi32, #tpu.memory_space<vmem>> -> memref<1x80xi32, #tpu.memory_space<vmem>>
    %dma_wait3A_140 = tpu.memref_squeeze %dma_wait3A_139 : memref<1x80xi32, #tpu.memory_space<vmem>> -> memref<80xi32, #tpu.memory_space<vmem>>
    %dma_wait3A_141 = tpu.memref_slice %arg3[%add3A_132] : memref<320000xi32, #tpu.memory_space<hbm>> -> memref<80xi32, #tpu.memory_space<hbm>>
    tpu.wait_dma2 semaphore(%arg11 : memref<!tpu.dma_semaphore, #tpu.memory_space<semaphore_mem>>) src(%dma_wait3A_141 : memref<80xi32, #tpu.memory_space<hbm>>) dst(%dma_wait3A_140 : memref<80xi32, #tpu.memory_space<vmem>>)
    %dma_start3A_142 = arith.constant 0 : i32
    %dma_start3A_143 = arith.constant 0 : i32
    %dma_start3A_144 = arith.constant 0 : i32
    %dma_start3A_145 = arith.constant 0 : i32
    %dma_start3A_146 = tpu.memref_slice %arg10[%dma_start3A_143, %dma_start3A_144, %dma_start3A_145] : memref<4x80x128xf32, #tpu.memory_space<vmem>> -> memref<1x80x128xf32, #tpu.memory_space<vmem>>
    %dma_start3A_147 = tpu.memref_squeeze %dma_start3A_146 : memref<1x80x128xf32, #tpu.memory_space<vmem>> -> memref<80x128xf32, #tpu.memory_space<vmem>>
    %dma_start3A_148 = arith.constant 0 : i32
    %dma_start3A_149 = tpu.memref_slice %arg8[%dma_start3A_142, %dma_start3A_148] : memref<6x80xi32, #tpu.memory_space<vmem>> -> memref<1x80xi32, #tpu.memory_space<vmem>>
    %dma_start3A_150 = tpu.memref_squeeze %dma_start3A_149 : memref<1x80xi32, #tpu.memory_space<vmem>> -> memref<80xi32, #tpu.memory_space<vmem>>
    %dma_start3A_151 = arith.constant 0 : i32
    %dma_start3A_152 = arith.constant 0 : i32
    %dma_start3A_153 = tpu.memref_slice %arg4[%dma_start3A_151, %dma_start3A_152] : memref<10000x128xf32, #tpu.memory_space<hbm>> -> memref<10000x128xf32, #tpu.memory_space<hbm>>
    tpu.enqueue_indirect_dma source(%dma_start3A_153 : memref<10000x128xf32, #tpu.memory_space<hbm>>) target(%dma_start3A_147 : memref<80x128xf32, #tpu.memory_space<vmem>>) offsets(%dma_start3A_150 : memref<80xi32, #tpu.memory_space<vmem>>) semaphore(%arg12 : memref<!tpu.dma_semaphore, #tpu.memory_space<semaphore_mem>>)
    %add3A_154 = arith.constant 80 : i32
    %add3A_155 = arith.addi %mul3A_2, %add3A_154 : i32
    %dma_wait3A_156 = arith.constant 1 : i32
    %dma_wait3A_157 = arith.constant 0 : i32
    %dma_wait3A_158 = tpu.memref_slice %arg8[%dma_wait3A_156, %dma_wait3A_157] : memref<6x80xi32, #tpu.memory_space<vmem>> -> memref<1x80xi32, #tpu.memory_space<vmem>>
    %dma_wait3A_159 = tpu.memref_squeeze %dma_wait3A_158 : memref<1x80xi32, #tpu.memory_space<vmem>> -> memref<80xi32, #tpu.memory_space<vmem>>
    %dma_wait3A_160 = tpu.memref_slice %arg2[%add3A_155] : memref<320000xi32, #tpu.memory_space<hbm>> -> memref<80xi32, #tpu.memory_space<hbm>>
    %dma_wait3A_161 = arith.constant 0 : i32
    %dma_wait3A_162 = tpu.memref_slice %arg8[%dma_wait3A_156, %dma_wait3A_161] : memref<6x80xi32, #tpu.memory_space<vmem>> -> memref<1x80xi32, #tpu.memory_space<vmem>>
    %dma_wait3A_163 = tpu.memref_squeeze %dma_wait3A_162 : memref<1x80xi32, #tpu.memory_space<vmem>> -> memref<80xi32, #tpu.memory_space<vmem>>
    %dma_wait3A_164 = tpu.memref_slice %arg2[%add3A_155] : memref<320000xi32, #tpu.memory_space<hbm>> -> memref<80xi32, #tpu.memory_space<hbm>>
    tpu.wait_dma2 semaphore(%arg11 : memref<!tpu.dma_semaphore, #tpu.memory_space<semaphore_mem>>) src(%dma_wait3A_164 : memref<80xi32, #tpu.memory_space<hbm>>) dst(%dma_wait3A_163 : memref<80xi32, #tpu.memory_space<vmem>>)
    %add3A_165 = arith.constant 80 : i32
    %add3A_166 = arith.addi %mul3A_2, %add3A_165 : i32
    %dma_wait3A_167 = arith.constant 1 : i32
    %dma_wait3A_168 = arith.constant 0 : i32
    %dma_wait3A_169 = tpu.memref_slice %arg9[%dma_wait3A_167, %dma_wait3A_168] : memref<6x80xi32, #tpu.memory_space<vmem>> -> memref<1x80xi32, #tpu.memory_space<vmem>>
    %dma_wait3A_170 = tpu.memref_squeeze %dma_wait3A_169 : memref<1x80xi32, #tpu.memory_space<vmem>> -> memref<80xi32, #tpu.memory_space<vmem>>
    %dma_wait3A_171 = tpu.memref_slice %arg3[%add3A_166] : memref<320000xi32, #tpu.memory_space<hbm>> -> memref<80xi32, #tpu.memory_space<hbm>>
    %dma_wait3A_172 = arith.constant 0 : i32
    %dma_wait3A_173 = tpu.memref_slice %arg9[%dma_wait3A_167, %dma_wait3A_172] : memref<6x80xi32, #tpu.memory_space<vmem>> -> memref<1x80xi32, #tpu.memory_space<vmem>>
    %dma_wait3A_174 = tpu.memref_squeeze %dma_wait3A_173 : memref<1x80xi32, #tpu.memory_space<vmem>> -> memref<80xi32, #tpu.memory_space<vmem>>
    %dma_wait3A_175 = tpu.memref_slice %arg3[%add3A_166] : memref<320000xi32, #tpu.memory_space<hbm>> -> memref<80xi32, #tpu.memory_space<hbm>>
    tpu.wait_dma2 semaphore(%arg11 : memref<!tpu.dma_semaphore, #tpu.memory_space<semaphore_mem>>) src(%dma_wait3A_175 : memref<80xi32, #tpu.memory_space<hbm>>) dst(%dma_wait3A_174 : memref<80xi32, #tpu.memory_space<vmem>>)
    %dma_start3A_176 = arith.constant 1 : i32
    %dma_start3A_177 = arith.constant 1 : i32
    %dma_start3A_178 = arith.constant 0 : i32
    %dma_start3A_179 = arith.constant 0 : i32
    %dma_start3A_180 = tpu.memref_slice %arg10[%dma_start3A_177, %dma_start3A_178, %dma_start3A_179] : memref<4x80x128xf32, #tpu.memory_space<vmem>> -> memref<1x80x128xf32, #tpu.memory_space<vmem>>
    %dma_start3A_181 = tpu.memref_squeeze %dma_start3A_180 : memref<1x80x128xf32, #tpu.memory_space<vmem>> -> memref<80x128xf32, #tpu.memory_space<vmem>>
    %dma_start3A_182 = arith.constant 0 : i32
    %dma_start3A_183 = tpu.memref_slice %arg8[%dma_start3A_176, %dma_start3A_182] : memref<6x80xi32, #tpu.memory_space<vmem>> -> memref<1x80xi32, #tpu.memory_space<vmem>>
    %dma_start3A_184 = tpu.memref_squeeze %dma_start3A_183 : memref<1x80xi32, #tpu.memory_space<vmem>> -> memref<80xi32, #tpu.memory_space<vmem>>
    %dma_start3A_185 = arith.constant 0 : i32
    %dma_start3A_186 = arith.constant 0 : i32
    %dma_start3A_187 = tpu.memref_slice %arg4[%dma_start3A_185, %dma_start3A_186] : memref<10000x128xf32, #tpu.memory_space<hbm>> -> memref<10000x128xf32, #tpu.memory_space<hbm>>
    tpu.enqueue_indirect_dma source(%dma_start3A_187 : memref<10000x128xf32, #tpu.memory_space<hbm>>) target(%dma_start3A_181 : memref<80x128xf32, #tpu.memory_space<vmem>>) offsets(%dma_start3A_184 : memref<80xi32, #tpu.memory_space<vmem>>) semaphore(%arg12 : memref<!tpu.dma_semaphore, #tpu.memory_space<semaphore_mem>>)
    %add3A_188 = arith.constant 160 : i32
    %add3A_189 = arith.addi %mul3A_2, %add3A_188 : i32
    %dma_wait3A_190 = arith.constant 2 : i32
    %dma_wait3A_191 = arith.constant 0 : i32
    %dma_wait3A_192 = tpu.memref_slice %arg8[%dma_wait3A_190, %dma_wait3A_191] : memref<6x80xi32, #tpu.memory_space<vmem>> -> memref<1x80xi32, #tpu.memory_space<vmem>>
    %dma_wait3A_193 = tpu.memref_squeeze %dma_wait3A_192 : memref<1x80xi32, #tpu.memory_space<vmem>> -> memref<80xi32, #tpu.memory_space<vmem>>
    %dma_wait3A_194 = tpu.memref_slice %arg2[%add3A_189] : memref<320000xi32, #tpu.memory_space<hbm>> -> memref<80xi32, #tpu.memory_space<hbm>>
    %dma_wait3A_195 = arith.constant 0 : i32
    %dma_wait3A_196 = tpu.memref_slice %arg8[%dma_wait3A_190, %dma_wait3A_195] : memref<6x80xi32, #tpu.memory_space<vmem>> -> memref<1x80xi32, #tpu.memory_space<vmem>>
    %dma_wait3A_197 = tpu.memref_squeeze %dma_wait3A_196 : memref<1x80xi32, #tpu.memory_space<vmem>> -> memref<80xi32, #tpu.memory_space<vmem>>
    %dma_wait3A_198 = tpu.memref_slice %arg2[%add3A_189] : memref<320000xi32, #tpu.memory_space<hbm>> -> memref<80xi32, #tpu.memory_space<hbm>>
    tpu.wait_dma2 semaphore(%arg11 : memref<!tpu.dma_semaphore, #tpu.memory_space<semaphore_mem>>) src(%dma_wait3A_198 : memref<80xi32, #tpu.memory_space<hbm>>) dst(%dma_wait3A_197 : memref<80xi32, #tpu.memory_space<vmem>>)
    %add3A_199 = arith.constant 160 : i32
    %add3A_200 = arith.addi %mul3A_2, %add3A_199 : i32
    %dma_wait3A_201 = arith.constant 2 : i32
    %dma_wait3A_202 = arith.constant 0 : i32
    %dma_wait3A_203 = tpu.memref_slice %arg9[%dma_wait3A_201, %dma_wait3A_202] : memref<6x80xi32, #tpu.memory_space<vmem>> -> memref<1x80xi32, #tpu.memory_space<vmem>>
    %dma_wait3A_204 = tpu.memref_squeeze %dma_wait3A_203 : memref<1x80xi32, #tpu.memory_space<vmem>> -> memref<80xi32, #tpu.memory_space<vmem>>
    %dma_wait3A_205 = tpu.memref_slice %arg3[%add3A_200] : memref<320000xi32, #tpu.memory_space<hbm>> -> memref<80xi32, #tpu.memory_space<hbm>>
    %dma_wait3A_206 = arith.constant 0 : i32
    %dma_wait3A_207 = tpu.memref_slice %arg9[%dma_wait3A_201, %dma_wait3A_206] : memref<6x80xi32, #tpu.memory_space<vmem>> -> memref<1x80xi32, #tpu.memory_space<vmem>>
    %dma_wait3A_208 = tpu.memref_squeeze %dma_wait3A_207 : memref<1x80xi32, #tpu.memory_space<vmem>> -> memref<80xi32, #tpu.memory_space<vmem>>
    %dma_wait3A_209 = tpu.memref_slice %arg3[%add3A_200] : memref<320000xi32, #tpu.memory_space<hbm>> -> memref<80xi32, #tpu.memory_space<hbm>>
    tpu.wait_dma2 semaphore(%arg11 : memref<!tpu.dma_semaphore, #tpu.memory_space<semaphore_mem>>) src(%dma_wait3A_209 : memref<80xi32, #tpu.memory_space<hbm>>) dst(%dma_wait3A_208 : memref<80xi32, #tpu.memory_space<vmem>>)
    %dma_start3A_210 = arith.constant 2 : i32
    %dma_start3A_211 = arith.constant 2 : i32
    %dma_start3A_212 = arith.constant 0 : i32
    %dma_start3A_213 = arith.constant 0 : i32
    %dma_start3A_214 = tpu.memref_slice %arg10[%dma_start3A_211, %dma_start3A_212, %dma_start3A_213] : memref<4x80x128xf32, #tpu.memory_space<vmem>> -> memref<1x80x128xf32, #tpu.memory_space<vmem>>
    %dma_start3A_215 = tpu.memref_squeeze %dma_start3A_214 : memref<1x80x128xf32, #tpu.memory_space<vmem>> -> memref<80x128xf32, #tpu.memory_space<vmem>>
    %dma_start3A_216 = arith.constant 0 : i32
    %dma_start3A_217 = tpu.memref_slice %arg8[%dma_start3A_210, %dma_start3A_216] : memref<6x80xi32, #tpu.memory_space<vmem>> -> memref<1x80xi32, #tpu.memory_space<vmem>>
    %dma_start3A_218 = tpu.memref_squeeze %dma_start3A_217 : memref<1x80xi32, #tpu.memory_space<vmem>> -> memref<80xi32, #tpu.memory_space<vmem>>
    %dma_start3A_219 = arith.constant 0 : i32
    %dma_start3A_220 = arith.constant 0 : i32
    %dma_start3A_221 = tpu.memref_slice %arg4[%dma_start3A_219, %dma_start3A_220] : memref<10000x128xf32, #tpu.memory_space<hbm>> -> memref<10000x128xf32, #tpu.memory_space<hbm>>
    tpu.enqueue_indirect_dma source(%dma_start3A_221 : memref<10000x128xf32, #tpu.memory_space<hbm>>) target(%dma_start3A_215 : memref<80x128xf32, #tpu.memory_space<vmem>>) offsets(%dma_start3A_218 : memref<80xi32, #tpu.memory_space<vmem>>) semaphore(%arg12 : memref<!tpu.dma_semaphore, #tpu.memory_space<semaphore_mem>>)
    %scan3A_222 = arith.constant 0 : i32
    %scan3A_223 = arith.constant 8 : i32
    %scan3A_224 = arith.addi %scan3A_222, %scan3A_223 : i32
    %scan3A_225 = arith.constant 1 : i32
    scf.for %scan3A_258 = %scan3A_222 to %scan3A_224 step %scan3A_225  : i32 {
      %mul3A_259 = arith.constant 1 : i32
      %mul3A_260 = arith.muli %scan3A_258, %mul3A_259 : i32
      %add3A_261 = arith.constant 0 : i32
      %add3A_262 = arith.addi %add3A_261, %mul3A_260 : i32
      %mul3A_263 = arith.constant 8 : i32
      %mul3A_264 = arith.muli %arg1, %mul3A_263 : i32
      %add3A_265 = arith.addi %mul3A_264, %add3A_262 : i32
      %mul3A_266 = arith.constant 80 : i32
      %mul3A_267 = arith.muli %add3A_265, %mul3A_266 : i32
      %dma_wait3A_268 = arith.constant 3 : i32
      %dma_wait3A_269 = arith.constant 0 : i32
      %dma_wait3A_270 = arith.constant 0 : i32
      %dma_wait3A_271 = tpu.memref_slice %arg10[%dma_wait3A_268, %dma_wait3A_269, %dma_wait3A_270] : memref<4x80x128xf32, #tpu.memory_space<vmem>> -> memref<1x80x128xf32, #tpu.memory_space<vmem>>
      %dma_wait3A_272 = tpu.memref_squeeze %dma_wait3A_271 : memref<1x80x128xf32, #tpu.memory_space<vmem>> -> memref<80x128xf32, #tpu.memory_space<vmem>>
      %dma_wait3A_273 = arith.constant 0 : i32
      %dma_wait3A_274 = tpu.memref_slice %arg7[%mul3A_267, %dma_wait3A_273] : memref<10240x128xf32, #tpu.memory_space<vmem_shared>> -> memref<80x128xf32, #tpu.memory_space<vmem_shared>>
      %dma_wait3A_275 = arith.constant 0 : i32
      %dma_wait3A_276 = tpu.memref_slice %arg7[%mul3A_267, %dma_wait3A_275] : memref<10240x128xf32, #tpu.memory_space<vmem_shared>> -> memref<80x128xf32, #tpu.memory_space<vmem_shared>>
      %dma_wait3A_277 = arith.constant 0 : i32
      %dma_wait3A_278 = arith.constant 0 : i32
      %dma_wait3A_279 = tpu.memref_slice %arg10[%dma_wait3A_268, %dma_wait3A_277, %dma_wait3A_278] : memref<4x80x128xf32, #tpu.memory_space<vmem>> -> memref<1x80x128xf32, #tpu.memory_space<vmem>>
      %dma_wait3A_280 = tpu.memref_squeeze %dma_wait3A_279 : memref<1x80x128xf32, #tpu.memory_space<vmem>> -> memref<80x128xf32, #tpu.memory_space<vmem>>
      tpu.wait_dma2 semaphore(%arg13 : memref<!tpu.dma_semaphore, #tpu.memory_space<semaphore_mem>>) src(%dma_wait3A_280 : memref<80x128xf32, #tpu.memory_space<vmem>>) dst(%dma_wait3A_276 : memref<80x128xf32, #tpu.memory_space<vmem_shared>>)
    }
    %scan3A_226 = arith.constant 8 : i32
    %barrier3A = arith.constant 0 : index
    tpu.barrier barrier_id(%barrier3A)
    %scan3A_227 = arith.constant 0 : i32
    %scan3A_228 = arith.constant 125 : i32
    %scan3A_229 = arith.addi %scan3A_227, %scan3A_228 : i32
    %scan3A_230 = arith.constant 1 : i32
    scf.for %scan3A_258 = %scan3A_227 to %scan3A_229 step %scan3A_230  : i32 {
      %mul3A_259 = arith.constant 1 : i32
      %mul3A_260 = arith.muli %scan3A_258, %mul3A_259 : i32
      %add3A_261 = arith.constant 0 : i32
      %add3A_262 = arith.addi %add3A_261, %mul3A_260 : i32
      %rem3A_263 = arith.constant 4 : i32
      %rem3A_264 = arith.remsi %add3A_262, %rem3A_263 : i32
      %rem3A_265 = arith.constant 6 : i32
      %rem3A_266 = arith.remsi %add3A_262, %rem3A_265 : i32
      %dma_wait3A_267 = arith.constant 0 : i32
      %dma_wait3A_268 = arith.constant 0 : i32
      %dma_wait3A_269 = tpu.memref_slice %arg10[%rem3A_264, %dma_wait3A_267, %dma_wait3A_268] : memref<4x80x128xf32, #tpu.memory_space<vmem>> -> memref<1x80x128xf32, #tpu.memory_space<vmem>>
      %dma_wait3A_270 = tpu.memref_squeeze %dma_wait3A_269 : memref<1x80x128xf32, #tpu.memory_space<vmem>> -> memref<80x128xf32, #tpu.memory_space<vmem>>
      %dma_wait3A_271 = arith.constant 0 : i32
      %dma_wait3A_272 = tpu.memref_slice %arg8[%rem3A_266, %dma_wait3A_271] : memref<6x80xi32, #tpu.memory_space<vmem>> -> memref<1x80xi32, #tpu.memory_space<vmem>>
      %dma_wait3A_273 = tpu.memref_squeeze %dma_wait3A_272 : memref<1x80xi32, #tpu.memory_space<vmem>> -> memref<80xi32, #tpu.memory_space<vmem>>
      %dma_wait3A_274 = arith.constant 0 : i32
      %dma_wait3A_275 = arith.constant 0 : i32
      %dma_wait3A_276 = tpu.memref_slice %arg4[%dma_wait3A_274, %dma_wait3A_275] : memref<10000x128xf32, #tpu.memory_space<hbm>> -> memref<10000x128xf32, #tpu.memory_space<hbm>>
      tpu.wait_indirect_dma semaphore(%arg12 : memref<!tpu.dma_semaphore, #tpu.memory_space<semaphore_mem>>) src(%dma_wait3A_276 : memref<10000x128xf32, #tpu.memory_space<hbm>>) dst(%dma_wait3A_270 : memref<80x128xf32, #tpu.memory_space<vmem>>)
      %dma_start3A_277 = arith.constant 0 : i32
      %dma_start3A_278 = arith.constant 0 : i32
      %dma_start3A_279 = tpu.memref_slice %arg10[%rem3A_264, %dma_start3A_277, %dma_start3A_278] : memref<4x80x128xf32, #tpu.memory_space<vmem>> -> memref<1x80x128xf32, #tpu.memory_space<vmem>>
      %dma_start3A_280 = tpu.memref_squeeze %dma_start3A_279 : memref<1x80x128xf32, #tpu.memory_space<vmem>> -> memref<80x128xf32, #tpu.memory_space<vmem>>
      %dma_start3A_281 = arith.constant 0 : i32
      %dma_start3A_282 = tpu.memref_slice %arg9[%rem3A_266, %dma_start3A_281] : memref<6x80xi32, #tpu.memory_space<vmem>> -> memref<1x80xi32, #tpu.memory_space<vmem>>
      %dma_start3A_283 = tpu.memref_squeeze %dma_start3A_282 : memref<1x80xi32, #tpu.memory_space<vmem>> -> memref<80xi32, #tpu.memory_space<vmem>>
      %dma_start3A_284 = arith.constant 0 : i32
      %dma_start3A_285 = arith.constant 0 : i32
      %dma_start3A_286 = tpu.memref_slice %arg7[%dma_start3A_284, %dma_start3A_285] : memref<10240x128xf32, #tpu.memory_space<vmem_shared>> -> memref<10240x128xf32, #tpu.memory_space<vmem_shared>>
      tpu.enqueue_indirect_dma source(%dma_start3A_280 : memref<80x128xf32, #tpu.memory_space<vmem>>) target(%dma_start3A_286 : memref<10240x128xf32, #tpu.memory_space<vmem_shared>>) offsets(%dma_start3A_283 : memref<80xi32, #tpu.memory_space<vmem>>) semaphore(%arg13 : memref<!tpu.dma_semaphore, #tpu.memory_space<semaphore_mem>>) {add = true}
      %ge3A = arith.constant 1 : i32
      %ge3A_287 = arith.cmpi sge, %add3A_262, %ge3A : i32
      %convert_element_type3A = arith.extui %ge3A_287 : i1 to i32
      %cond3A = arith.constant 0 : i32
      %cond3A_288 = arith.cmpi ne, %convert_element_type3A, %cond3A : i32
      scf.if %cond3A_288 {
        %sub3A = arith.constant 1 : i32
        %sub3A_302 = arith.subi %add3A_262, %sub3A : i32
        %rem3A_303 = arith.constant 6 : i32
        %rem3A_304 = arith.remsi %sub3A_302, %rem3A_303 : i32
        %sub3A_305 = arith.constant 1 : i32
        %sub3A_306 = arith.subi %add3A_262, %sub3A_305 : i32
        %rem3A_307 = arith.constant 4 : i32
        %rem3A_308 = arith.remsi %sub3A_306, %rem3A_307 : i32
        %dma_wait3A_309 = arith.constant 0 : i32
        %dma_wait3A_310 = arith.constant 0 : i32
        %dma_wait3A_311 = tpu.memref_slice %arg10[%rem3A_308, %dma_wait3A_309, %dma_wait3A_310] : memref<4x80x128xf32, #tpu.memory_space<vmem>> -> memref<1x80x128xf32, #tpu.memory_space<vmem>>
        %dma_wait3A_312 = tpu.memref_squeeze %dma_wait3A_311 : memref<1x80x128xf32, #tpu.memory_space<vmem>> -> memref<80x128xf32, #tpu.memory_space<vmem>>
        %dma_wait3A_313 = arith.constant 0 : i32
        %dma_wait3A_314 = tpu.memref_slice %arg9[%rem3A_304, %dma_wait3A_313] : memref<6x80xi32, #tpu.memory_space<vmem>> -> memref<1x80xi32, #tpu.memory_space<vmem>>
        %dma_wait3A_315 = tpu.memref_squeeze %dma_wait3A_314 : memref<1x80xi32, #tpu.memory_space<vmem>> -> memref<80xi32, #tpu.memory_space<vmem>>
        %dma_wait3A_316 = arith.constant 0 : i32
        %dma_wait3A_317 = arith.constant 0 : i32
        %dma_wait3A_318 = tpu.memref_slice %arg7[%dma_wait3A_316, %dma_wait3A_317] : memref<10240x128xf32, #tpu.memory_space<vmem_shared>> -> memref<10240x128xf32, #tpu.memory_space<vmem_shared>>
        tpu.wait_indirect_dma semaphore(%arg13 : memref<!tpu.dma_semaphore, #tpu.memory_space<semaphore_mem>>) src(%dma_wait3A_312 : memref<80x128xf32, #tpu.memory_space<vmem>>) dst(%dma_wait3A_318 : memref<10240x128xf32, #tpu.memory_space<vmem_shared>>)
      } else {
      }
      %add3A_289 = arith.constant 3 : i32
      %add3A_290 = arith.addi %add3A_262, %add3A_289 : i32
      %lt3A = arith.constant 125 : i32
      %lt3A_291 = arith.cmpi slt, %add3A_290, %lt3A : i32
      %convert_element_type3A_292 = arith.extui %lt3A_291 : i1 to i32
      %cond3A_293 = arith.constant 0 : i32
      %cond3A_294 = arith.cmpi ne, %convert_element_type3A_292, %cond3A_293 : i32
      scf.if %cond3A_294 {
        %add3A_302 = arith.constant 3 : i32
        %add3A_303 = arith.addi %add3A_262, %add3A_302 : i32
        %rem3A_304 = arith.constant 6 : i32
        %rem3A_305 = arith.remsi %add3A_303, %rem3A_304 : i32
        %add3A_306 = arith.constant 3 : i32
        %add3A_307 = arith.addi %add3A_262, %add3A_306 : i32
        %mul3A_308 = arith.constant 80 : i32
        %mul3A_309 = arith.muli %add3A_307, %mul3A_308 : i32
        %add3A_310 = arith.addi %mul3A_2, %mul3A_309 : i32
        %dma_wait3A_311 = arith.constant 0 : i32
        %dma_wait3A_312 = tpu.memref_slice %arg8[%rem3A_305, %dma_wait3A_311] : memref<6x80xi32, #tpu.memory_space<vmem>> -> memref<1x80xi32, #tpu.memory_space<vmem>>
        %dma_wait3A_313 = tpu.memref_squeeze %dma_wait3A_312 : memref<1x80xi32, #tpu.memory_space<vmem>> -> memref<80xi32, #tpu.memory_space<vmem>>
        %dma_wait3A_314 = tpu.memref_slice %arg2[%add3A_310] : memref<320000xi32, #tpu.memory_space<hbm>> -> memref<80xi32, #tpu.memory_space<hbm>>
        %dma_wait3A_315 = arith.constant 0 : i32
        %dma_wait3A_316 = tpu.memref_slice %arg8[%rem3A_305, %dma_wait3A_315] : memref<6x80xi32, #tpu.memory_space<vmem>> -> memref<1x80xi32, #tpu.memory_space<vmem>>
        %dma_wait3A_317 = tpu.memref_squeeze %dma_wait3A_316 : memref<1x80xi32, #tpu.memory_space<vmem>> -> memref<80xi32, #tpu.memory_space<vmem>>
        %dma_wait3A_318 = tpu.memref_slice %arg2[%add3A_310] : memref<320000xi32, #tpu.memory_space<hbm>> -> memref<80xi32, #tpu.memory_space<hbm>>
        tpu.wait_dma2 semaphore(%arg11 : memref<!tpu.dma_semaphore, #tpu.memory_space<semaphore_mem>>) src(%dma_wait3A_318 : memref<80xi32, #tpu.memory_space<hbm>>) dst(%dma_wait3A_317 : memref<80xi32, #tpu.memory_space<vmem>>)
        %mul3A_319 = arith.constant 80 : i32
        %mul3A_320 = arith.muli %add3A_307, %mul3A_319 : i32
        %add3A_321 = arith.addi %mul3A_2, %mul3A_320 : i32
        %dma_wait3A_322 = arith.constant 0 : i32
        %dma_wait3A_323 = tpu.memref_slice %arg9[%rem3A_305, %dma_wait3A_322] : memref<6x80xi32, #tpu.memory_space<vmem>> -> memref<1x80xi32, #tpu.memory_space<vmem>>
        %dma_wait3A_324 = tpu.memref_squeeze %dma_wait3A_323 : memref<1x80xi32, #tpu.memory_space<vmem>> -> memref<80xi32, #tpu.memory_space<vmem>>
        %dma_wait3A_325 = tpu.memref_slice %arg3[%add3A_321] : memref<320000xi32, #tpu.memory_space<hbm>> -> memref<80xi32, #tpu.memory_space<hbm>>
        %dma_wait3A_326 = arith.constant 0 : i32
        %dma_wait3A_327 = tpu.memref_slice %arg9[%rem3A_305, %dma_wait3A_326] : memref<6x80xi32, #tpu.memory_space<vmem>> -> memref<1x80xi32, #tpu.memory_space<vmem>>
        %dma_wait3A_328 = tpu.memref_squeeze %dma_wait3A_327 : memref<1x80xi32, #tpu.memory_space<vmem>> -> memref<80xi32, #tpu.memory_space<vmem>>
        %dma_wait3A_329 = tpu.memref_slice %arg3[%add3A_321] : memref<320000xi32, #tpu.memory_space<hbm>> -> memref<80xi32, #tpu.memory_space<hbm>>
        tpu.wait_dma2 semaphore(%arg11 : memref<!tpu.dma_semaphore, #tpu.memory_space<semaphore_mem>>) src(%dma_wait3A_329 : memref<80xi32, #tpu.memory_space<hbm>>) dst(%dma_wait3A_328 : memref<80xi32, #tpu.memory_space<vmem>>)
        %add3A_330 = arith.constant 3 : i32
        %add3A_331 = arith.addi %add3A_262, %add3A_330 : i32
        %rem3A_332 = arith.constant 4 : i32
        %rem3A_333 = arith.remsi %add3A_331, %rem3A_332 : i32
        %dma_start3A_334 = arith.constant 0 : i32
        %dma_start3A_335 = arith.constant 0 : i32
        %dma_start3A_336 = tpu.memref_slice %arg10[%rem3A_333, %dma_start3A_334, %dma_start3A_335] : memref<4x80x128xf32, #tpu.memory_space<vmem>> -> memref<1x80x128xf32, #tpu.memory_space<vmem>>
        %dma_start3A_337 = tpu.memref_squeeze %dma_start3A_336 : memref<1x80x128xf32, #tpu.memory_space<vmem>> -> memref<80x128xf32, #tpu.memory_space<vmem>>
        %dma_start3A_338 = arith.constant 0 : i32
        %dma_start3A_339 = tpu.memref_slice %arg8[%rem3A_305, %dma_start3A_338] : memref<6x80xi32, #tpu.memory_space<vmem>> -> memref<1x80xi32, #tpu.memory_space<vmem>>
        %dma_start3A_340 = tpu.memref_squeeze %dma_start3A_339 : memref<1x80xi32, #tpu.memory_space<vmem>> -> memref<80xi32, #tpu.memory_space<vmem>>
        %dma_start3A_341 = arith.constant 0 : i32
        %dma_start3A_342 = arith.constant 0 : i32
        %dma_start3A_343 = tpu.memref_slice %arg4[%dma_start3A_341, %dma_start3A_342] : memref<10000x128xf32, #tpu.memory_space<hbm>> -> memref<10000x128xf32, #tpu.memory_space<hbm>>
        tpu.enqueue_indirect_dma source(%dma_start3A_343 : memref<10000x128xf32, #tpu.memory_space<hbm>>) target(%dma_start3A_337 : memref<80x128xf32, #tpu.memory_space<vmem>>) offsets(%dma_start3A_340 : memref<80xi32, #tpu.memory_space<vmem>>) semaphore(%arg12 : memref<!tpu.dma_semaphore, #tpu.memory_space<semaphore_mem>>)
      } else {
      }
      %add3A_295 = arith.constant 5 : i32
      %add3A_296 = arith.addi %add3A_262, %add3A_295 : i32
      %lt3A_297 = arith.constant 125 : i32
      %lt3A_298 = arith.cmpi slt, %add3A_296, %lt3A_297 : i32
      %convert_element_type3A_299 = arith.extui %lt3A_298 : i1 to i32
      %cond3A_300 = arith.constant 0 : i32
      %cond3A_301 = arith.cmpi ne, %convert_element_type3A_299, %cond3A_300 : i32
      scf.if %cond3A_301 {
        %add3A_302 = arith.constant 5 : i32
        %add3A_303 = arith.addi %add3A_262, %add3A_302 : i32
        %add3A_304 = arith.constant 5 : i32
        %add3A_305 = arith.addi %add3A_262, %add3A_304 : i32
        %rem3A_306 = arith.constant 6 : i32
        %rem3A_307 = arith.remsi %add3A_305, %rem3A_306 : i32
        %mul3A_308 = arith.constant 80 : i32
        %mul3A_309 = arith.muli %add3A_303, %mul3A_308 : i32
        %add3A_310 = arith.addi %mul3A_2, %mul3A_309 : i32
        %dma_start3A_311 = arith.constant 0 : i32
        %dma_start3A_312 = tpu.memref_slice %arg8[%rem3A_307, %dma_start3A_311] : memref<6x80xi32, #tpu.memory_space<vmem>> -> memref<1x80xi32, #tpu.memory_space<vmem>>
        %dma_start3A_313 = tpu.memref_squeeze %dma_start3A_312 : memref<1x80xi32, #tpu.memory_space<vmem>> -> memref<80xi32, #tpu.memory_space<vmem>>
        %dma_start3A_314 = tpu.memref_slice %arg2[%add3A_310] : memref<320000xi32, #tpu.memory_space<hbm>> -> memref<80xi32, #tpu.memory_space<hbm>>
        %dma_start3A_315 = arith.constant 0 : i32
        %dma_start3A_316 = tpu.memref_slice %arg8[%rem3A_307, %dma_start3A_315] : memref<6x80xi32, #tpu.memory_space<vmem>> -> memref<1x80xi32, #tpu.memory_space<vmem>>
        %dma_start3A_317 = tpu.memref_squeeze %dma_start3A_316 : memref<1x80xi32, #tpu.memory_space<vmem>> -> memref<80xi32, #tpu.memory_space<vmem>>
        %dma_start3A_318 = tpu.memref_slice %arg2[%add3A_310] : memref<320000xi32, #tpu.memory_space<hbm>> -> memref<80xi32, #tpu.memory_space<hbm>>
        tpu.enqueue_dma source(%dma_start3A_318 : memref<80xi32, #tpu.memory_space<hbm>>) target(%dma_start3A_317 : memref<80xi32, #tpu.memory_space<vmem>>) target_semaphore(%arg11 : memref<!tpu.dma_semaphore, #tpu.memory_space<semaphore_mem>>)
        %mul3A_319 = arith.constant 80 : i32
        %mul3A_320 = arith.muli %add3A_303, %mul3A_319 : i32
        %add3A_321 = arith.addi %mul3A_2, %mul3A_320 : i32
        %dma_start3A_322 = arith.constant 0 : i32
        %dma_start3A_323 = tpu.memref_slice %arg9[%rem3A_307, %dma_start3A_322] : memref<6x80xi32, #tpu.memory_space<vmem>> -> memref<1x80xi32, #tpu.memory_space<vmem>>
        %dma_start3A_324 = tpu.memref_squeeze %dma_start3A_323 : memref<1x80xi32, #tpu.memory_space<vmem>> -> memref<80xi32, #tpu.memory_space<vmem>>
        %dma_start3A_325 = tpu.memref_slice %arg3[%add3A_321] : memref<320000xi32, #tpu.memory_space<hbm>> -> memref<80xi32, #tpu.memory_space<hbm>>
        %dma_start3A_326 = arith.constant 0 : i32
        %dma_start3A_327 = tpu.memref_slice %arg9[%rem3A_307, %dma_start3A_326] : memref<6x80xi32, #tpu.memory_space<vmem>> -> memref<1x80xi32, #tpu.memory_space<vmem>>
        %dma_start3A_328 = tpu.memref_squeeze %dma_start3A_327 : memref<1x80xi32, #tpu.memory_space<vmem>> -> memref<80xi32, #tpu.memory_space<vmem>>
        %dma_start3A_329 = tpu.memref_slice %arg3[%add3A_321] : memref<320000xi32, #tpu.memory_space<hbm>> -> memref<80xi32, #tpu.memory_space<hbm>>
        tpu.enqueue_dma source(%dma_start3A_329 : memref<80xi32, #tpu.memory_space<hbm>>) target(%dma_start3A_328 : memref<80xi32, #tpu.memory_space<vmem>>) target_semaphore(%arg11 : memref<!tpu.dma_semaphore, #tpu.memory_space<semaphore_mem>>)
      } else {
      }
    }
    %scan3A_231 = arith.constant 125 : i32
    %rem3A = arith.constant 124 : i32
    %rem3A_232 = arith.constant 6 : i32
    %rem3A_233 = arith.remsi %rem3A, %rem3A_232 : i32
    %rem3A_234 = arith.constant 124 : i32
    %rem3A_235 = arith.constant 4 : i32
    %rem3A_236 = arith.remsi %rem3A_234, %rem3A_235 : i32
    %dma_wait3A_237 = arith.constant 0 : i32
    %dma_wait3A_238 = arith.constant 0 : i32
    %dma_wait3A_239 = tpu.memref_slice %arg10[%rem3A_236, %dma_wait3A_237, %dma_wait3A_238] : memref<4x80x128xf32, #tpu.memory_space<vmem>> -> memref<1x80x128xf32, #tpu.memory_space<vmem>>
    %dma_wait3A_240 = tpu.memref_squeeze %dma_wait3A_239 : memref<1x80x128xf32, #tpu.memory_space<vmem>> -> memref<80x128xf32, #tpu.memory_space<vmem>>
    %dma_wait3A_241 = arith.constant 0 : i32
    %dma_wait3A_242 = tpu.memref_slice %arg9[%rem3A_233, %dma_wait3A_241] : memref<6x80xi32, #tpu.memory_space<vmem>> -> memref<1x80xi32, #tpu.memory_space<vmem>>
    %dma_wait3A_243 = tpu.memref_squeeze %dma_wait3A_242 : memref<1x80xi32, #tpu.memory_space<vmem>> -> memref<80xi32, #tpu.memory_space<vmem>>
    %dma_wait3A_244 = arith.constant 0 : i32
    %dma_wait3A_245 = arith.constant 0 : i32
    %dma_wait3A_246 = tpu.memref_slice %arg7[%dma_wait3A_244, %dma_wait3A_245] : memref<10240x128xf32, #tpu.memory_space<vmem_shared>> -> memref<10240x128xf32, #tpu.memory_space<vmem_shared>>
    tpu.wait_indirect_dma semaphore(%arg13 : memref<!tpu.dma_semaphore, #tpu.memory_space<semaphore_mem>>) src(%dma_wait3A_240 : memref<80x128xf32, #tpu.memory_space<vmem>>) dst(%dma_wait3A_246 : memref<10240x128xf32, #tpu.memory_space<vmem_shared>>)
    %barrier3A_247 = arith.constant 0 : index
    tpu.barrier barrier_id(%barrier3A_247)
    %scan3A_248 = arith.constant 0 : i32
    %scan3A_249 = arith.constant 8 : i32
    %scan3A_250 = arith.addi %scan3A_248, %scan3A_249 : i32
    %scan3A_251 = arith.constant 1 : i32
    scf.for %scan3A_258 = %scan3A_248 to %scan3A_250 step %scan3A_251  : i32 {
      %mul3A_259 = arith.constant 1 : i32
      %mul3A_260 = arith.muli %scan3A_258, %mul3A_259 : i32
      %add3A_261 = arith.constant 0 : i32
      %add3A_262 = arith.addi %add3A_261, %mul3A_260 : i32
      %mul3A_263 = arith.constant 16 : i32
      %mul3A_264 = arith.muli %add3A_262, %mul3A_263 : i32
      %add3A_265 = arith.addi %arg1, %mul3A_264 : i32
      %mul3A_266 = arith.constant 80 : i32
      %mul3A_267 = arith.muli %add3A_265, %mul3A_266 : i32
      %lt3A = arith.constant 10000 : i32
      %lt3A_268 = arith.cmpi slt, %mul3A_267, %lt3A : i32
      %convert_element_type3A = arith.extui %lt3A_268 : i1 to i32
      %cond3A = arith.constant 0 : i32
      %cond3A_269 = arith.cmpi ne, %convert_element_type3A, %cond3A : i32
      scf.if %cond3A_269 {
        %eq3A = arith.constant 0 : i32
        %eq3A_270 = arith.cmpi eq, %arg0, %eq3A : i32
        %convert_element_type3A_271 = arith.extui %eq3A_270 : i1 to i32
        %cond3A_272 = arith.constant 0 : i32
        %cond3A_273 = arith.cmpi ne, %convert_element_type3A_271, %cond3A_272 : i32
        scf.if %cond3A_273 {
          %mul3A_279 = arith.constant 80 : i32
          %mul3A_280 = arith.muli %add3A_265, %mul3A_279 : i32
          %mul3A_281 = arith.constant 80 : i32
          %mul3A_282 = arith.muli %add3A_265, %mul3A_281 : i32
          %dma_start3A_283 = arith.constant 0 : i32
          %dma_start3A_284 = tpu.memref_slice %arg5[%mul3A_282, %dma_start3A_283] : memref<10000x128xf32, #tpu.memory_space<hbm>> -> memref<80x128xf32, #tpu.memory_space<hbm>>
          %dma_start3A_285 = arith.constant 0 : i32
          %dma_start3A_286 = tpu.memref_slice %arg7[%mul3A_280, %dma_start3A_285] : memref<10240x128xf32, #tpu.memory_space<vmem_shared>> -> memref<80x128xf32, #tpu.memory_space<vmem_shared>>
          tpu.enqueue_dma source(%dma_start3A_286 : memref<80x128xf32, #tpu.memory_space<vmem_shared>>) target(%dma_start3A_284 : memref<80x128xf32, #tpu.memory_space<hbm>>) target_semaphore(%arg13 : memref<!tpu.dma_semaphore, #tpu.memory_space<semaphore_mem>>)
        } else {
        }
        %eq3A_274 = arith.constant 1 : i32
        %eq3A_275 = arith.cmpi eq, %arg0, %eq3A_274 : i32
        %convert_element_type3A_276 = arith.extui %eq3A_275 : i1 to i32
        %cond3A_277 = arith.constant 0 : i32
        %cond3A_278 = arith.cmpi ne, %convert_element_type3A_276, %cond3A_277 : i32
        scf.if %cond3A_278 {
          %mul3A_279 = arith.constant 80 : i32
          %mul3A_280 = arith.muli %add3A_265, %mul3A_279 : i32
          %mul3A_281 = arith.constant 80 : i32
          %mul3A_282 = arith.muli %add3A_265, %mul3A_281 : i32
          %dma_start3A_283 = arith.constant 0 : i32
          %dma_start3A_284 = tpu.memref_slice %arg6[%mul3A_282, %dma_start3A_283] : memref<10000x128xf32, #tpu.memory_space<hbm>> -> memref<80x128xf32, #tpu.memory_space<hbm>>
          %dma_start3A_285 = arith.constant 0 : i32
          %dma_start3A_286 = tpu.memref_slice %arg7[%mul3A_280, %dma_start3A_285] : memref<10240x128xf32, #tpu.memory_space<vmem_shared>> -> memref<80x128xf32, #tpu.memory_space<vmem_shared>>
          tpu.enqueue_dma source(%dma_start3A_286 : memref<80x128xf32, #tpu.memory_space<vmem_shared>>) target(%dma_start3A_284 : memref<80x128xf32, #tpu.memory_space<hbm>>) target_semaphore(%arg13 : memref<!tpu.dma_semaphore, #tpu.memory_space<semaphore_mem>>)
        } else {
        }
      } else {
      }
    }
    %scan3A_252 = arith.constant 8 : i32
    %scan3A_253 = arith.constant 0 : i32
    %scan3A_254 = arith.constant 8 : i32
    %scan3A_255 = arith.addi %scan3A_253, %scan3A_254 : i32
    %scan3A_256 = arith.constant 1 : i32
    scf.for %scan3A_258 = %scan3A_253 to %scan3A_255 step %scan3A_256  : i32 {
      %mul3A_259 = arith.constant 1 : i32
      %mul3A_260 = arith.muli %scan3A_258, %mul3A_259 : i32
      %add3A_261 = arith.constant 0 : i32
      %add3A_262 = arith.addi %add3A_261, %mul3A_260 : i32
      %mul3A_263 = arith.constant 16 : i32
      %mul3A_264 = arith.muli %add3A_262, %mul3A_263 : i32
      %add3A_265 = arith.addi %arg1, %mul3A_264 : i32
      %mul3A_266 = arith.constant 80 : i32
      %mul3A_267 = arith.muli %add3A_265, %mul3A_266 : i32
      %lt3A = arith.constant 10000 : i32
      %lt3A_268 = arith.cmpi slt, %mul3A_267, %lt3A : i32
      %convert_element_type3A = arith.extui %lt3A_268 : i1 to i32
      %cond3A = arith.constant 0 : i32
      %cond3A_269 = arith.cmpi ne, %convert_element_type3A, %cond3A : i32
      scf.if %cond3A_269 {
        %eq3A = arith.constant 0 : i32
        %eq3A_270 = arith.cmpi eq, %arg0, %eq3A : i32
        %convert_element_type3A_271 = arith.extui %eq3A_270 : i1 to i32
        %cond3A_272 = arith.constant 0 : i32
        %cond3A_273 = arith.cmpi ne, %convert_element_type3A_271, %cond3A_272 : i32
        scf.if %cond3A_273 {
          %mul3A_279 = arith.constant 80 : i32
          %mul3A_280 = arith.muli %add3A_265, %mul3A_279 : i32
          %mul3A_281 = arith.constant 80 : i32
          %mul3A_282 = arith.muli %add3A_265, %mul3A_281 : i32
          %dma_wait3A_283 = arith.constant 0 : i32
          %dma_wait3A_284 = tpu.memref_slice %arg5[%mul3A_282, %dma_wait3A_283] : memref<10000x128xf32, #tpu.memory_space<hbm>> -> memref<80x128xf32, #tpu.memory_space<hbm>>
          %dma_wait3A_285 = arith.constant 0 : i32
          %dma_wait3A_286 = tpu.memref_slice %arg7[%mul3A_280, %dma_wait3A_285] : memref<10240x128xf32, #tpu.memory_space<vmem_shared>> -> memref<80x128xf32, #tpu.memory_space<vmem_shared>>
          tpu.wait_dma2 semaphore(%arg13 : memref<!tpu.dma_semaphore, #tpu.memory_space<semaphore_mem>>) src(%dma_wait3A_286 : memref<80x128xf32, #tpu.memory_space<vmem_shared>>) dst(%dma_wait3A_284 : memref<80x128xf32, #tpu.memory_space<hbm>>)
        } else {
        }
        %eq3A_274 = arith.constant 1 : i32
        %eq3A_275 = arith.cmpi eq, %arg0, %eq3A_274 : i32
        %convert_element_type3A_276 = arith.extui %eq3A_275 : i1 to i32
        %cond3A_277 = arith.constant 0 : i32
        %cond3A_278 = arith.cmpi ne, %convert_element_type3A_276, %cond3A_277 : i32
        scf.if %cond3A_278 {
          %mul3A_279 = arith.constant 80 : i32
          %mul3A_280 = arith.muli %add3A_265, %mul3A_279 : i32
          %mul3A_281 = arith.constant 80 : i32
          %mul3A_282 = arith.muli %add3A_265, %mul3A_281 : i32
          %dma_wait3A_283 = arith.constant 0 : i32
          %dma_wait3A_284 = tpu.memref_slice %arg6[%mul3A_282, %dma_wait3A_283] : memref<10000x128xf32, #tpu.memory_space<hbm>> -> memref<80x128xf32, #tpu.memory_space<hbm>>
          %dma_wait3A_285 = arith.constant 0 : i32
          %dma_wait3A_286 = tpu.memref_slice %arg7[%mul3A_280, %dma_wait3A_285] : memref<10240x128xf32, #tpu.memory_space<vmem_shared>> -> memref<80x128xf32, #tpu.memory_space<vmem_shared>>
          tpu.wait_dma2 semaphore(%arg13 : memref<!tpu.dma_semaphore, #tpu.memory_space<semaphore_mem>>) src(%dma_wait3A_286 : memref<80x128xf32, #tpu.memory_space<vmem_shared>>) dst(%dma_wait3A_284 : memref<80x128xf32, #tpu.memory_space<hbm>>)
        } else {
        }
      } else {
      }
    }
    %scan3A_257 = arith.constant 8 : i32
    return
  }
}

#map = affine_map<(d0, d1) -> (0, 0)>
#map1 = affine_map<(d0, d1) -> (0)>
module attributes {stable_mosaic.version = 14 : i64} {
  func.func @deg_kernel(%arg0: i32, %arg1: i32, %arg2: memref<2x320000xi32, #tpu.memory_space<hbm>>, %arg3: memref<10240xf32, #tpu.memory_space<hbm>>, %arg4: memref<10240xf32, #tpu.memory_space<hbm>>, %arg5: memref<320000xi32, #tpu.memory_space<hbm>>, %arg6: memref<320000xi32, #tpu.memory_space<hbm>>, %arg7: memref<10240xf32, #tpu.memory_space<vmem_shared>>, %arg8: memref<79x2x128xi32, #tpu.memory_space<vmem>>, %arg9: memref<79x128xi32, #tpu.memory_space<vmem>>, %arg10: memref<79x128xi32, #tpu.memory_space<vmem>>, %arg11: memref<128xf32, #tpu.memory_space<vmem>>, %arg12: memref<128xf32, #tpu.memory_space<vmem>>, %arg13: memref<!tpu.dma_semaphore, #tpu.memory_space<semaphore_mem>>, %arg14: memref<!tpu.dma_semaphore, #tpu.memory_space<semaphore_mem>>) attributes {dimension_semantics = [#tpu.dimension_semantics<core_parallel>, #tpu.dimension_semantics<subcore_parallel>], iteration_bounds = array<i64: 2, 16>, scalar_prefetch = 0 : i64, scratch_operands = 8 : i64, tpu.core_type = #tpu.core_type<sc_vector_subcore>, window_params = [{transform_indices = #map}, {transform_indices = #map1}, {transform_indices = #map1}, {transform_indices = #map1}, {transform_indices = #map1}]} {
    %mul3A = arith.constant 16 : i32
    %mul3A_0 = arith.muli %arg0, %mul3A : i32
    %add3A = arith.addi %mul3A_0, %arg1 : i32
    %scan3A = arith.constant 0 : i32
    %scan3A_1 = arith.constant 79 : i32
    %scan3A_2 = arith.addi %scan3A, %scan3A_1 : i32
    %scan3A_3 = arith.constant 1 : i32
    scf.for %scan3A_36 = %scan3A to %scan3A_2 step %scan3A_3  : i32 {
      %mul3A_37 = arith.constant 1 : i32
      %mul3A_38 = arith.muli %scan3A_36, %mul3A_37 : i32
      %add3A_39 = arith.constant 0 : i32
      %add3A_40 = arith.addi %add3A_39, %mul3A_38 : i32
      %mul3A_41 = arith.constant 32 : i32
      %mul3A_42 = arith.muli %add3A_40, %mul3A_41 : i32
      %add3A_43 = arith.addi %add3A, %mul3A_42 : i32
      %lt3A = arith.constant 2500 : i32
      %lt3A_44 = arith.cmpi slt, %add3A_43, %lt3A : i32
      %convert_element_type3A = arith.extui %lt3A_44 : i1 to i32
      %cond3A = arith.constant 0 : i32
      %cond3A_45 = arith.cmpi ne, %convert_element_type3A, %cond3A : i32
      scf.if %cond3A_45 {
        %mul3A_46 = arith.constant 128 : i32
        %mul3A_47 = arith.muli %add3A_43, %mul3A_46 : i32
        %dma_start3A = arith.constant 0 : i32
        %dma_start3A_48 = arith.constant 0 : i32
        %dma_start3A_49 = tpu.memref_slice %arg8[%add3A_40, %dma_start3A, %dma_start3A_48] : memref<79x2x128xi32, #tpu.memory_space<vmem>> -> memref<1x2x128xi32, #tpu.memory_space<vmem>>
        %dma_start3A_50 = tpu.memref_squeeze %dma_start3A_49 : memref<1x2x128xi32, #tpu.memory_space<vmem>> -> memref<2x128xi32, #tpu.memory_space<vmem>>
        %dma_start3A_51 = arith.constant 0 : i32
        %dma_start3A_52 = tpu.memref_slice %arg2[%dma_start3A_51, %mul3A_47] : memref<2x320000xi32, #tpu.memory_space<hbm>> -> memref<2x128xi32, #tpu.memory_space<hbm>>
        %dma_start3A_53 = arith.constant 0 : i32
        %dma_start3A_54 = arith.constant 0 : i32
        %dma_start3A_55 = tpu.memref_slice %arg8[%add3A_40, %dma_start3A_53, %dma_start3A_54] : memref<79x2x128xi32, #tpu.memory_space<vmem>> -> memref<1x2x128xi32, #tpu.memory_space<vmem>>
        %dma_start3A_56 = tpu.memref_squeeze %dma_start3A_55 : memref<1x2x128xi32, #tpu.memory_space<vmem>> -> memref<2x128xi32, #tpu.memory_space<vmem>>
        %dma_start3A_57 = arith.constant 0 : i32
        %dma_start3A_58 = tpu.memref_slice %arg2[%dma_start3A_57, %mul3A_47] : memref<2x320000xi32, #tpu.memory_space<hbm>> -> memref<2x128xi32, #tpu.memory_space<hbm>>
        tpu.enqueue_dma source(%dma_start3A_58 : memref<2x128xi32, #tpu.memory_space<hbm>>) target(%dma_start3A_56 : memref<2x128xi32, #tpu.memory_space<vmem>>) target_semaphore(%arg13 : memref<!tpu.dma_semaphore, #tpu.memory_space<semaphore_mem>>)
      } else {
      }
    }
    %scan3A_4 = arith.constant 79 : i32
    %scan3A_5 = arith.constant 0 : i32
    %scan3A_6 = arith.constant 8 : i32
    %scan3A_7 = arith.addi %scan3A_5, %scan3A_6 : i32
    %scan3A_8 = arith.constant 1 : i32
    scf.for %scan3A_36 = %scan3A_5 to %scan3A_7 step %scan3A_8  : i32 {
      %mul3A_37 = arith.constant 1 : i32
      %mul3A_38 = arith.muli %scan3A_36, %mul3A_37 : i32
      %add3A_39 = arith.constant 0 : i32
      %add3A_40 = arith.addi %add3A_39, %mul3A_38 : i32
      %broadcast_in_dim3A = arith.constant 0.000000e+00 : f32
      %broadcast_in_dim3A_41 = vector.broadcast %broadcast_in_dim3A : f32 to vector<16xf32>
      %mul3A_42 = arith.constant 16 : i32
      %mul3A_43 = arith.muli %add3A_40, %mul3A_42 : i32
      %swap3A = arith.index_cast %mul3A_43 : i32 to index
      %swap3A_44 = tpu.vector_load %arg12[%swap3A] {strides = array<i32>} : memref<128xf32, #tpu.memory_space<vmem>>, vector<16xf32>,
      %swap3A_45 = vector.shape_cast %swap3A_44 : vector<16xf32> to vector<16xf32>
      %swap3A_46 = vector.shape_cast %broadcast_in_dim3A_41 : vector<16xf32> to vector<16xf32>
      tpu.vector_store %arg12[%swap3A], %swap3A_46 {strides = array<i32>} : memref<128xf32, #tpu.memory_space<vmem>>, vector<16xf32>,
    }
    %scan3A_9 = arith.constant 8 : i32
    %scan3A_10 = arith.constant 0 : i32
    %scan3A_11 = arith.constant 8 : i32
    %scan3A_12 = arith.addi %scan3A_10, %scan3A_11 : i32
    %scan3A_13 = arith.constant 1 : i32
    scf.for %scan3A_36 = %scan3A_10 to %scan3A_12 step %scan3A_13  : i32 {
      %mul3A_37 = arith.constant 1 : i32
      %mul3A_38 = arith.muli %scan3A_36, %mul3A_37 : i32
      %add3A_39 = arith.constant 0 : i32
      %add3A_40 = arith.addi %add3A_39, %mul3A_38 : i32
      %broadcast_in_dim3A = arith.constant 1.000000e+00 : f32
      %broadcast_in_dim3A_41 = vector.broadcast %broadcast_in_dim3A : f32 to vector<16xf32>
      %mul3A_42 = arith.constant 16 : i32
      %mul3A_43 = arith.muli %add3A_40, %mul3A_42 : i32
      %swap3A = arith.index_cast %mul3A_43 : i32 to index
      %swap3A_44 = tpu.vector_load %arg11[%swap3A] {strides = array<i32>} : memref<128xf32, #tpu.memory_space<vmem>>, vector<16xf32>,
      %swap3A_45 = vector.shape_cast %swap3A_44 : vector<16xf32> to vector<16xf32>
      %swap3A_46 = vector.shape_cast %broadcast_in_dim3A_41 : vector<16xf32> to vector<16xf32>
      tpu.vector_store %arg11[%swap3A], %swap3A_46 {strides = array<i32>} : memref<128xf32, #tpu.memory_space<vmem>>, vector<16xf32>,
    }
    %scan3A_14 = arith.constant 8 : i32
    %scan3A_15 = arith.constant 0 : i32
    %scan3A_16 = arith.constant 5 : i32
    %scan3A_17 = arith.addi %scan3A_15, %scan3A_16 : i32
    %scan3A_18 = arith.constant 1 : i32
    scf.for %scan3A_36 = %scan3A_15 to %scan3A_17 step %scan3A_18  : i32 {
      %mul3A_37 = arith.constant 1 : i32
      %mul3A_38 = arith.muli %scan3A_36, %mul3A_37 : i32
      %add3A_39 = arith.constant 0 : i32
      %add3A_40 = arith.addi %add3A_39, %mul3A_38 : i32
      %mul3A_41 = arith.constant 5 : i32
      %mul3A_42 = arith.muli %arg1, %mul3A_41 : i32
      %add3A_43 = arith.addi %mul3A_42, %add3A_40 : i32
      %mul3A_44 = arith.constant 128 : i32
      %mul3A_45 = arith.muli %add3A_43, %mul3A_44 : i32
      "tpu.region"() ({
        %run_scoped3A = tpu.sem_alloc : memref<!tpu.dma_semaphore, #tpu.memory_space<semaphore_mem>>
        %dma_start3A = tpu.memref_slice %arg7[%mul3A_45] : memref<10240xf32, #tpu.memory_space<vmem_shared>> -> memref<128xf32, #tpu.memory_space<vmem_shared>>
        %dma_start3A_46 = tpu.memref_slice %arg7[%mul3A_45] : memref<10240xf32, #tpu.memory_space<vmem_shared>> -> memref<128xf32, #tpu.memory_space<vmem_shared>>
        tpu.enqueue_dma source(%arg12 : memref<128xf32, #tpu.memory_space<vmem>>) target(%dma_start3A_46 : memref<128xf32, #tpu.memory_space<vmem_shared>>) target_semaphore(%run_scoped3A : memref<!tpu.dma_semaphore, #tpu.memory_space<semaphore_mem>>)
        %dma_wait3A = tpu.memref_slice %arg7[%mul3A_45] : memref<10240xf32, #tpu.memory_space<vmem_shared>> -> memref<128xf32, #tpu.memory_space<vmem_shared>>
        %dma_wait3A_47 = tpu.memref_slice %arg7[%mul3A_45] : memref<10240xf32, #tpu.memory_space<vmem_shared>> -> memref<128xf32, #tpu.memory_space<vmem_shared>>
        tpu.wait_dma2 semaphore(%run_scoped3A : memref<!tpu.dma_semaphore, #tpu.memory_space<semaphore_mem>>) src(%arg12 : memref<128xf32, #tpu.memory_space<vmem>>) dst(%dma_wait3A_47 : memref<128xf32, #tpu.memory_space<vmem_shared>>)
        tpu.yield
      }) : () -> ()
    }
    %scan3A_19 = arith.constant 5 : i32
    %barrier3A = arith.constant 0 : index
    tpu.barrier barrier_id(%barrier3A)
    %scan3A_20 = arith.constant 0 : i32
    %scan3A_21 = arith.constant 79 : i32
    %scan3A_22 = arith.addi %scan3A_20, %scan3A_21 : i32
    %scan3A_23 = arith.constant 1 : i32
    scf.for %scan3A_36 = %scan3A_20 to %scan3A_22 step %scan3A_23  : i32 {
      %mul3A_37 = arith.constant 1 : i32
      %mul3A_38 = arith.muli %scan3A_36, %mul3A_37 : i32
      %add3A_39 = arith.constant 0 : i32
      %add3A_40 = arith.addi %add3A_39, %mul3A_38 : i32
      %mul3A_41 = arith.constant 32 : i32
      %mul3A_42 = arith.muli %add3A_40, %mul3A_41 : i32
      %add3A_43 = arith.addi %add3A, %mul3A_42 : i32
      %lt3A = arith.constant 2500 : i32
      %lt3A_44 = arith.cmpi slt, %add3A_43, %lt3A : i32
      %convert_element_type3A = arith.extui %lt3A_44 : i1 to i32
      %cond3A = arith.constant 0 : i32
      %cond3A_45 = arith.cmpi ne, %convert_element_type3A, %cond3A : i32
      scf.if %cond3A_45 {
        %mul3A_46 = arith.constant 128 : i32
        %mul3A_47 = arith.muli %add3A_43, %mul3A_46 : i32
        %dma_wait3A = arith.constant 0 : i32
        %dma_wait3A_48 = arith.constant 0 : i32
        %dma_wait3A_49 = tpu.memref_slice %arg8[%add3A_40, %dma_wait3A, %dma_wait3A_48] : memref<79x2x128xi32, #tpu.memory_space<vmem>> -> memref<1x2x128xi32, #tpu.memory_space<vmem>>
        %dma_wait3A_50 = tpu.memref_squeeze %dma_wait3A_49 : memref<1x2x128xi32, #tpu.memory_space<vmem>> -> memref<2x128xi32, #tpu.memory_space<vmem>>
        %dma_wait3A_51 = arith.constant 0 : i32
        %dma_wait3A_52 = tpu.memref_slice %arg2[%dma_wait3A_51, %mul3A_47] : memref<2x320000xi32, #tpu.memory_space<hbm>> -> memref<2x128xi32, #tpu.memory_space<hbm>>
        %dma_wait3A_53 = arith.constant 0 : i32
        %dma_wait3A_54 = arith.constant 0 : i32
        %dma_wait3A_55 = tpu.memref_slice %arg8[%add3A_40, %dma_wait3A_53, %dma_wait3A_54] : memref<79x2x128xi32, #tpu.memory_space<vmem>> -> memref<1x2x128xi32, #tpu.memory_space<vmem>>
        %dma_wait3A_56 = tpu.memref_squeeze %dma_wait3A_55 : memref<1x2x128xi32, #tpu.memory_space<vmem>> -> memref<2x128xi32, #tpu.memory_space<vmem>>
        %dma_wait3A_57 = arith.constant 0 : i32
        %dma_wait3A_58 = tpu.memref_slice %arg2[%dma_wait3A_57, %mul3A_47] : memref<2x320000xi32, #tpu.memory_space<hbm>> -> memref<2x128xi32, #tpu.memory_space<hbm>>
        tpu.wait_dma2 semaphore(%arg13 : memref<!tpu.dma_semaphore, #tpu.memory_space<semaphore_mem>>) src(%dma_wait3A_58 : memref<2x128xi32, #tpu.memory_space<hbm>>) dst(%dma_wait3A_56 : memref<2x128xi32, #tpu.memory_space<vmem>>)
        %scan3A_59 = arith.constant 0 : i32
        %scan3A_60 = arith.constant 8 : i32
        %scan3A_61 = arith.addi %scan3A_59, %scan3A_60 : i32
        %scan3A_62 = arith.constant 1 : i32
        scf.for %scan3A_89 = %scan3A_59 to %scan3A_61 step %scan3A_62  : i32 {
          %mul3A_90 = arith.constant 1 : i32
          %mul3A_91 = arith.muli %scan3A_89, %mul3A_90 : i32
          %add3A_92 = arith.constant 0 : i32
          %add3A_93 = arith.addi %add3A_92, %mul3A_91 : i32
          %mul3A_94 = arith.constant 16 : i32
          %mul3A_95 = arith.muli %add3A_93, %mul3A_94 : i32
          %get3A = arith.constant 0 : i32
          %get3A_96 = arith.index_cast %add3A_40 : i32 to index
          %get3A_97 = arith.index_cast %get3A : i32 to index
          %get3A_98 = arith.index_cast %mul3A_95 : i32 to index
          %get3A_99 = tpu.vector_load %arg8[%get3A_96, %get3A_97, %get3A_98] {strides = array<i32>} : memref<79x2x128xi32, #tpu.memory_space<vmem>>, vector<1x1x16xi32>,
          %get3A_100 = vector.shape_cast %get3A_99 : vector<1x1x16xi32> to vector<16xi32>
          %get3A_101 = arith.constant 1 : i32
          %get3A_102 = arith.index_cast %add3A_40 : i32 to index
          %get3A_103 = arith.index_cast %get3A_101 : i32 to index
          %get3A_104 = arith.index_cast %mul3A_95 : i32 to index
          %get3A_105 = tpu.vector_load %arg8[%get3A_102, %get3A_103, %get3A_104] {strides = array<i32>} : memref<79x2x128xi32, #tpu.memory_space<vmem>>, vector<1x1x16xi32>,
          %get3A_106 = vector.shape_cast %get3A_105 : vector<1x1x16xi32> to vector<16xi32>
          %eq3A = arith.cmpi eq, %get3A_100, %get3A_106 : vector<16xi32>
          %jit3A = arith.constant 10000 : i32
          %broadcast_in_dim3A = vector.broadcast %jit3A : i32 to vector<16xi32>
          %select_n3A = arith.select %eq3A, %broadcast_in_dim3A, %get3A_100 : vector<16xi1>, vector<16xi32>
          %swap3A = arith.index_cast %add3A_40 : i32 to index
          %swap3A_107 = arith.index_cast %mul3A_95 : i32 to index
          %swap3A_108 = tpu.vector_load %arg10[%swap3A, %swap3A_107] {strides = array<i32>} : memref<79x128xi32, #tpu.memory_space<vmem>>, vector<1x16xi32>,
          %swap3A_109 = vector.shape_cast %swap3A_108 : vector<1x16xi32> to vector<16xi32>
          %swap3A_110 = vector.shape_cast %select_n3A : vector<16xi32> to vector<1x16xi32>
          tpu.vector_store %arg10[%swap3A, %swap3A_107], %swap3A_110 {strides = array<i32>} : memref<79x128xi32, #tpu.memory_space<vmem>>, vector<1x16xi32>,
          %eq3A_111 = arith.cmpi eq, %get3A_100, %get3A_106 : vector<16xi32>
          %jit3A_112 = arith.constant 10000 : i32
          %broadcast_in_dim3A_113 = vector.broadcast %jit3A_112 : i32 to vector<16xi32>
          %select_n3A_114 = arith.select %eq3A_111, %broadcast_in_dim3A_113, %get3A_106 : vector<16xi1>, vector<16xi32>
          %swap3A_115 = arith.index_cast %add3A_40 : i32 to index
          %swap3A_116 = arith.index_cast %mul3A_95 : i32 to index
          %swap3A_117 = tpu.vector_load %arg9[%swap3A_115, %swap3A_116] {strides = array<i32>} : memref<79x128xi32, #tpu.memory_space<vmem>>, vector<1x16xi32>,
          %swap3A_118 = vector.shape_cast %swap3A_117 : vector<1x16xi32> to vector<16xi32>
          %swap3A_119 = vector.shape_cast %select_n3A_114 : vector<16xi32> to vector<1x16xi32>
          tpu.vector_store %arg9[%swap3A_115, %swap3A_116], %swap3A_119 {strides = array<i32>} : memref<79x128xi32, #tpu.memory_space<vmem>>, vector<1x16xi32>,
        }
        %scan3A_63 = arith.constant 8 : i32
        %mul3A_64 = arith.constant 128 : i32
        %mul3A_65 = arith.muli %add3A_43, %mul3A_64 : i32
        %dma_start3A = arith.constant 0 : i32
        %dma_start3A_66 = arith.constant 0 : i32
        %dma_start3A_67 = tpu.memref_slice %arg8[%add3A_40, %dma_start3A, %dma_start3A_66] : memref<79x2x128xi32, #tpu.memory_space<vmem>> -> memref<1x1x128xi32, #tpu.memory_space<vmem>>
        %dma_start3A_68 = tpu.memref_squeeze %dma_start3A_67 : memref<1x1x128xi32, #tpu.memory_space<vmem>> -> memref<128xi32, #tpu.memory_space<vmem>>
        %dma_start3A_69 = tpu.memref_slice %arg5[%mul3A_65] : memref<320000xi32, #tpu.memory_space<hbm>> -> memref<128xi32, #tpu.memory_space<hbm>>
        %dma_start3A_70 = tpu.memref_slice %arg5[%mul3A_65] : memref<320000xi32, #tpu.memory_space<hbm>> -> memref<128xi32, #tpu.memory_space<hbm>>
        %dma_start3A_71 = arith.constant 0 : i32
        %dma_start3A_72 = tpu.memref_slice %arg8[%add3A_40, %dma_start3A, %dma_start3A_71] : memref<79x2x128xi32, #tpu.memory_space<vmem>> -> memref<1x1x128xi32, #tpu.memory_space<vmem>>
        %dma_start3A_73 = tpu.memref_squeeze %dma_start3A_72 : memref<1x1x128xi32, #tpu.memory_space<vmem>> -> memref<128xi32, #tpu.memory_space<vmem>>
        tpu.enqueue_dma source(%dma_start3A_73 : memref<128xi32, #tpu.memory_space<vmem>>) target(%dma_start3A_70 : memref<128xi32, #tpu.memory_space<hbm>>) target_semaphore(%arg14 : memref<!tpu.dma_semaphore, #tpu.memory_space<semaphore_mem>>)
        %mul3A_74 = arith.constant 128 : i32
        %mul3A_75 = arith.muli %add3A_43, %mul3A_74 : i32
        %dma_start3A_76 = arith.constant 0 : i32
        %dma_start3A_77 = tpu.memref_slice %arg9[%add3A_40, %dma_start3A_76] : memref<79x128xi32, #tpu.memory_space<vmem>> -> memref<1x128xi32, #tpu.memory_space<vmem>>
        %dma_start3A_78 = tpu.memref_squeeze %dma_start3A_77 : memref<1x128xi32, #tpu.memory_space<vmem>> -> memref<128xi32, #tpu.memory_space<vmem>>
        %dma_start3A_79 = tpu.memref_slice %arg6[%mul3A_75] : memref<320000xi32, #tpu.memory_space<hbm>> -> memref<128xi32, #tpu.memory_space<hbm>>
        %dma_start3A_80 = tpu.memref_slice %arg6[%mul3A_75] : memref<320000xi32, #tpu.memory_space<hbm>> -> memref<128xi32, #tpu.memory_space<hbm>>
        %dma_start3A_81 = arith.constant 0 : i32
        %dma_start3A_82 = tpu.memref_slice %arg9[%add3A_40, %dma_start3A_81] : memref<79x128xi32, #tpu.memory_space<vmem>> -> memref<1x128xi32, #tpu.memory_space<vmem>>
        %dma_start3A_83 = tpu.memref_squeeze %dma_start3A_82 : memref<1x128xi32, #tpu.memory_space<vmem>> -> memref<128xi32, #tpu.memory_space<vmem>>
        tpu.enqueue_dma source(%dma_start3A_83 : memref<128xi32, #tpu.memory_space<vmem>>) target(%dma_start3A_80 : memref<128xi32, #tpu.memory_space<hbm>>) target_semaphore(%arg14 : memref<!tpu.dma_semaphore, #tpu.memory_space<semaphore_mem>>)
        %dma_start3A_84 = arith.constant 0 : i32
        %dma_start3A_85 = tpu.memref_slice %arg10[%add3A_40, %dma_start3A_84] : memref<79x128xi32, #tpu.memory_space<vmem>> -> memref<1x128xi32, #tpu.memory_space<vmem>>
        %dma_start3A_86 = tpu.memref_squeeze %dma_start3A_85 : memref<1x128xi32, #tpu.memory_space<vmem>> -> memref<128xi32, #tpu.memory_space<vmem>>
        %dma_start3A_87 = arith.constant 0 : i32
        %dma_start3A_88 = tpu.memref_slice %arg7[%dma_start3A_87] : memref<10240xf32, #tpu.memory_space<vmem_shared>> -> memref<10240xf32, #tpu.memory_space<vmem_shared>>
        tpu.enqueue_indirect_dma source(%arg11 : memref<128xf32, #tpu.memory_space<vmem>>) target(%dma_start3A_88 : memref<10240xf32, #tpu.memory_space<vmem_shared>>) offsets(%dma_start3A_86 : memref<128xi32, #tpu.memory_space<vmem>>) semaphore(%arg13 : memref<!tpu.dma_semaphore, #tpu.memory_space<semaphore_mem>>) {add = true}
      } else {
      }
    }
    %scan3A_24 = arith.constant 79 : i32
    %scan3A_25 = arith.constant 0 : i32
    %scan3A_26 = arith.constant 79 : i32
    %scan3A_27 = arith.addi %scan3A_25, %scan3A_26 : i32
    %scan3A_28 = arith.constant 1 : i32
    scf.for %scan3A_36 = %scan3A_25 to %scan3A_27 step %scan3A_28  : i32 {
      %mul3A_37 = arith.constant 1 : i32
      %mul3A_38 = arith.muli %scan3A_36, %mul3A_37 : i32
      %add3A_39 = arith.constant 0 : i32
      %add3A_40 = arith.addi %add3A_39, %mul3A_38 : i32
      %mul3A_41 = arith.constant 32 : i32
      %mul3A_42 = arith.muli %add3A_40, %mul3A_41 : i32
      %add3A_43 = arith.addi %add3A, %mul3A_42 : i32
      %lt3A = arith.constant 2500 : i32
      %lt3A_44 = arith.cmpi slt, %add3A_43, %lt3A : i32
      %convert_element_type3A = arith.extui %lt3A_44 : i1 to i32
      %cond3A = arith.constant 0 : i32
      %cond3A_45 = arith.cmpi ne, %convert_element_type3A, %cond3A : i32
      scf.if %cond3A_45 {
        %dma_wait3A = arith.constant 0 : i32
        %dma_wait3A_46 = tpu.memref_slice %arg10[%add3A_40, %dma_wait3A] : memref<79x128xi32, #tpu.memory_space<vmem>> -> memref<1x128xi32, #tpu.memory_space<vmem>>
        %dma_wait3A_47 = tpu.memref_squeeze %dma_wait3A_46 : memref<1x128xi32, #tpu.memory_space<vmem>> -> memref<128xi32, #tpu.memory_space<vmem>>
        %dma_wait3A_48 = arith.constant 0 : i32
        %dma_wait3A_49 = tpu.memref_slice %arg7[%dma_wait3A_48] : memref<10240xf32, #tpu.memory_space<vmem_shared>> -> memref<10240xf32, #tpu.memory_space<vmem_shared>>
        tpu.wait_indirect_dma semaphore(%arg13 : memref<!tpu.dma_semaphore, #tpu.memory_space<semaphore_mem>>) src(%arg11 : memref<128xf32, #tpu.memory_space<vmem>>) dst(%dma_wait3A_49 : memref<10240xf32, #tpu.memory_space<vmem_shared>>)
        %mul3A_50 = arith.constant 128 : i32
        %mul3A_51 = arith.muli %add3A_43, %mul3A_50 : i32
        %dma_wait3A_52 = arith.constant 0 : i32
        %dma_wait3A_53 = arith.constant 0 : i32
        %dma_wait3A_54 = tpu.memref_slice %arg8[%add3A_40, %dma_wait3A_52, %dma_wait3A_53] : memref<79x2x128xi32, #tpu.memory_space<vmem>> -> memref<1x1x128xi32, #tpu.memory_space<vmem>>
        %dma_wait3A_55 = tpu.memref_squeeze %dma_wait3A_54 : memref<1x1x128xi32, #tpu.memory_space<vmem>> -> memref<128xi32, #tpu.memory_space<vmem>>
        %dma_wait3A_56 = tpu.memref_slice %arg5[%mul3A_51] : memref<320000xi32, #tpu.memory_space<hbm>> -> memref<128xi32, #tpu.memory_space<hbm>>
        %dma_wait3A_57 = tpu.memref_slice %arg5[%mul3A_51] : memref<320000xi32, #tpu.memory_space<hbm>> -> memref<128xi32, #tpu.memory_space<hbm>>
        %dma_wait3A_58 = arith.constant 0 : i32
        %dma_wait3A_59 = tpu.memref_slice %arg8[%add3A_40, %dma_wait3A_52, %dma_wait3A_58] : memref<79x2x128xi32, #tpu.memory_space<vmem>> -> memref<1x1x128xi32, #tpu.memory_space<vmem>>
        %dma_wait3A_60 = tpu.memref_squeeze %dma_wait3A_59 : memref<1x1x128xi32, #tpu.memory_space<vmem>> -> memref<128xi32, #tpu.memory_space<vmem>>
        tpu.wait_dma2 semaphore(%arg14 : memref<!tpu.dma_semaphore, #tpu.memory_space<semaphore_mem>>) src(%dma_wait3A_60 : memref<128xi32, #tpu.memory_space<vmem>>) dst(%dma_wait3A_57 : memref<128xi32, #tpu.memory_space<hbm>>)
        %mul3A_61 = arith.constant 128 : i32
        %mul3A_62 = arith.muli %add3A_43, %mul3A_61 : i32
        %dma_wait3A_63 = arith.constant 0 : i32
        %dma_wait3A_64 = tpu.memref_slice %arg9[%add3A_40, %dma_wait3A_63] : memref<79x128xi32, #tpu.memory_space<vmem>> -> memref<1x128xi32, #tpu.memory_space<vmem>>
        %dma_wait3A_65 = tpu.memref_squeeze %dma_wait3A_64 : memref<1x128xi32, #tpu.memory_space<vmem>> -> memref<128xi32, #tpu.memory_space<vmem>>
        %dma_wait3A_66 = tpu.memref_slice %arg6[%mul3A_62] : memref<320000xi32, #tpu.memory_space<hbm>> -> memref<128xi32, #tpu.memory_space<hbm>>
        %dma_wait3A_67 = tpu.memref_slice %arg6[%mul3A_62] : memref<320000xi32, #tpu.memory_space<hbm>> -> memref<128xi32, #tpu.memory_space<hbm>>
        %dma_wait3A_68 = arith.constant 0 : i32
        %dma_wait3A_69 = tpu.memref_slice %arg9[%add3A_40, %dma_wait3A_68] : memref<79x128xi32, #tpu.memory_space<vmem>> -> memref<1x128xi32, #tpu.memory_space<vmem>>
        %dma_wait3A_70 = tpu.memref_squeeze %dma_wait3A_69 : memref<1x128xi32, #tpu.memory_space<vmem>> -> memref<128xi32, #tpu.memory_space<vmem>>
        tpu.wait_dma2 semaphore(%arg14 : memref<!tpu.dma_semaphore, #tpu.memory_space<semaphore_mem>>) src(%dma_wait3A_70 : memref<128xi32, #tpu.memory_space<vmem>>) dst(%dma_wait3A_67 : memref<128xi32, #tpu.memory_space<hbm>>)
      } else {
      }
    }
    %scan3A_29 = arith.constant 79 : i32
    %barrier3A_30 = arith.constant 0 : index
    tpu.barrier barrier_id(%barrier3A_30)
    %scan3A_31 = arith.constant 0 : i32
    %scan3A_32 = arith.constant 5 : i32
    %scan3A_33 = arith.addi %scan3A_31, %scan3A_32 : i32
    %scan3A_34 = arith.constant 1 : i32
    scf.for %scan3A_36 = %scan3A_31 to %scan3A_33 step %scan3A_34  : i32 {
      %mul3A_37 = arith.constant 1 : i32
      %mul3A_38 = arith.muli %scan3A_36, %mul3A_37 : i32
      %add3A_39 = arith.constant 0 : i32
      %add3A_40 = arith.addi %add3A_39, %mul3A_38 : i32
      %mul3A_41 = arith.constant 5 : i32
      %mul3A_42 = arith.muli %arg1, %mul3A_41 : i32
      %add3A_43 = arith.addi %mul3A_42, %add3A_40 : i32
      %mul3A_44 = arith.constant 128 : i32
      %mul3A_45 = arith.muli %add3A_43, %mul3A_44 : i32
      "tpu.region"() ({
        %run_scoped3A = tpu.sem_alloc : memref<!tpu.dma_semaphore, #tpu.memory_space<semaphore_mem>>
        %dma_start3A = tpu.memref_slice %arg7[%mul3A_45] : memref<10240xf32, #tpu.memory_space<vmem_shared>> -> memref<128xf32, #tpu.memory_space<vmem_shared>>
        %dma_start3A_53 = tpu.memref_slice %arg7[%mul3A_45] : memref<10240xf32, #tpu.memory_space<vmem_shared>> -> memref<128xf32, #tpu.memory_space<vmem_shared>>
        tpu.enqueue_dma source(%dma_start3A_53 : memref<128xf32, #tpu.memory_space<vmem_shared>>) target(%arg12 : memref<128xf32, #tpu.memory_space<vmem>>) target_semaphore(%run_scoped3A : memref<!tpu.dma_semaphore, #tpu.memory_space<semaphore_mem>>)
        %dma_wait3A = tpu.memref_slice %arg7[%mul3A_45] : memref<10240xf32, #tpu.memory_space<vmem_shared>> -> memref<128xf32, #tpu.memory_space<vmem_shared>>
        %dma_wait3A_54 = tpu.memref_slice %arg7[%mul3A_45] : memref<10240xf32, #tpu.memory_space<vmem_shared>> -> memref<128xf32, #tpu.memory_space<vmem_shared>>
        tpu.wait_dma2 semaphore(%run_scoped3A : memref<!tpu.dma_semaphore, #tpu.memory_space<semaphore_mem>>) src(%dma_wait3A_54 : memref<128xf32, #tpu.memory_space<vmem_shared>>) dst(%arg12 : memref<128xf32, #tpu.memory_space<vmem>>)
        tpu.yield
      }) : () -> ()
      %eq3A = arith.constant 0 : i32
      %eq3A_46 = arith.cmpi eq, %arg0, %eq3A : i32
      %convert_element_type3A = arith.extui %eq3A_46 : i1 to i32
      %cond3A = arith.constant 0 : i32
      %cond3A_47 = arith.cmpi ne, %convert_element_type3A, %cond3A : i32
      scf.if %cond3A_47 {
        "tpu.region"() ({
          %run_scoped3A = tpu.sem_alloc : memref<!tpu.dma_semaphore, #tpu.memory_space<semaphore_mem>>
          %dma_start3A = tpu.memref_slice %arg3[%mul3A_45] : memref<10240xf32, #tpu.memory_space<hbm>> -> memref<128xf32, #tpu.memory_space<hbm>>
          %dma_start3A_53 = tpu.memref_slice %arg3[%mul3A_45] : memref<10240xf32, #tpu.memory_space<hbm>> -> memref<128xf32, #tpu.memory_space<hbm>>
          tpu.enqueue_dma source(%arg12 : memref<128xf32, #tpu.memory_space<vmem>>) target(%dma_start3A_53 : memref<128xf32, #tpu.memory_space<hbm>>) target_semaphore(%run_scoped3A : memref<!tpu.dma_semaphore, #tpu.memory_space<semaphore_mem>>)
          %dma_wait3A = tpu.memref_slice %arg3[%mul3A_45] : memref<10240xf32, #tpu.memory_space<hbm>> -> memref<128xf32, #tpu.memory_space<hbm>>
          %dma_wait3A_54 = tpu.memref_slice %arg3[%mul3A_45] : memref<10240xf32, #tpu.memory_space<hbm>> -> memref<128xf32, #tpu.memory_space<hbm>>
          tpu.wait_dma2 semaphore(%run_scoped3A : memref<!tpu.dma_semaphore, #tpu.memory_space<semaphore_mem>>) src(%arg12 : memref<128xf32, #tpu.memory_space<vmem>>) dst(%dma_wait3A_54 : memref<128xf32, #tpu.memory_space<hbm>>)
          tpu.yield
        }) : () -> ()
      } else {
      }
      %eq3A_48 = arith.constant 1 : i32
      %eq3A_49 = arith.cmpi eq, %arg0, %eq3A_48 : i32
      %convert_element_type3A_50 = arith.extui %eq3A_49 : i1 to i32
      %cond3A_51 = arith.constant 0 : i32
      %cond3A_52 = arith.cmpi ne, %convert_element_type3A_50, %cond3A_51 : i32
      scf.if %cond3A_52 {
        "tpu.region"() ({
          %run_scoped3A = tpu.sem_alloc : memref<!tpu.dma_semaphore, #tpu.memory_space<semaphore_mem>>
          %dma_start3A = tpu.memref_slice %arg4[%mul3A_45] : memref<10240xf32, #tpu.memory_space<hbm>> -> memref<128xf32, #tpu.memory_space<hbm>>
          %dma_start3A_53 = tpu.memref_slice %arg4[%mul3A_45] : memref<10240xf32, #tpu.memory_space<hbm>> -> memref<128xf32, #tpu.memory_space<hbm>>
          tpu.enqueue_dma source(%arg12 : memref<128xf32, #tpu.memory_space<vmem>>) target(%dma_start3A_53 : memref<128xf32, #tpu.memory_space<hbm>>) target_semaphore(%run_scoped3A : memref<!tpu.dma_semaphore, #tpu.memory_space<semaphore_mem>>)
          %dma_wait3A = tpu.memref_slice %arg4[%mul3A_45] : memref<10240xf32, #tpu.memory_space<hbm>> -> memref<128xf32, #tpu.memory_space<hbm>>
          %dma_wait3A_54 = tpu.memref_slice %arg4[%mul3A_45] : memref<10240xf32, #tpu.memory_space<hbm>> -> memref<128xf32, #tpu.memory_space<hbm>>
          tpu.wait_dma2 semaphore(%run_scoped3A : memref<!tpu.dma_semaphore, #tpu.memory_space<semaphore_mem>>) src(%arg12 : memref<128xf32, #tpu.memory_space<vmem>>) dst(%dma_wait3A_54 : memref<128xf32, #tpu.memory_space<hbm>>)
          tpu.yield
        }) : () -> ()
      } else {
      }
    }
    %scan3A_35 = arith.constant 5 : i32
    return
  }
}

module attributes {stable_mosaic.version = 14 : i64} {
  func.func @body(%arg0: memref<10240xf32, #tpu.memory_space<vmem>>, %arg1: memref<10240xf32, #tpu.memory_space<vmem>>, %arg2: memref<10000x128xf32, #tpu.memory_space<vmem>>, %arg3: memref<10000x128xf32, #tpu.memory_space<vmem>>, %arg4: memref<10000x1xf32, #tpu.memory_space<vmem>>) attributes {dimension_semantics = [], scalar_prefetch = 0 : i64, scratch_operands = 0 : i64, tpu.core_type = #tpu.core_type<tc>} {
    %get3A = arith.constant 0 : index
    %get3A_0 = vector.load %arg0[%get3A] : memref<10240xf32, #tpu.memory_space<vmem>>, vector<10240xf32>
    %get3A_1 = arith.constant 0 : index
    %get3A_2 = vector.load %arg1[%get3A_1] : memref<10240xf32, #tpu.memory_space<vmem>>, vector<10240xf32>
    %add3A = arith.addf %get3A_0, %get3A_2 : vector<10240xf32>
    %add3A_3 = arith.constant 1.000000e+00 : f32
    %add3A_4 = vector.broadcast %add3A_3 : f32 to vector<10240xf32>
    %add3A_5 = arith.addf %add3A, %add3A_4 : vector<10240xf32>
    %rsqrt3A = math.rsqrt %add3A_5 : vector<10240xf32>
    %slice3A = vector.extract_strided_slice %rsqrt3A {offsets = [0], sizes = [10000], strides = [1]} : vector<10240xf32> to vector<10000xf32>
    %reshape3A = vector.shape_cast %slice3A : vector<10000xf32> to vector<10000x1xf32>
    %swap3A = arith.constant 0 : index
    %swap3A_6 = arith.constant 0 : index
    %swap3A_7 = vector.load %arg4[%swap3A, %swap3A_6] : memref<10000x1xf32, #tpu.memory_space<vmem>>, vector<10000x1xf32>
    tpu.vector_store %arg4[%swap3A, %swap3A_6], %reshape3A {strides = array<i32>} : memref<10000x1xf32, #tpu.memory_space<vmem>>, vector<10000x1xf32>,
    %get3A_8 = arith.constant 0 : index
    %get3A_9 = arith.constant 0 : index
    %get3A_10 = vector.load %arg2[%get3A_8, %get3A_9] : memref<10000x128xf32, #tpu.memory_space<vmem>>, vector<10000x128xf32>
    %mul3A = vector.broadcast %reshape3A : vector<10000x1xf32> to vector<10000x128xf32>
    %mul3A_11 = arith.mulf %get3A_10, %mul3A : vector<10000x128xf32>
    %swap3A_12 = arith.constant 0 : index
    %swap3A_13 = arith.constant 0 : index
    %swap3A_14 = vector.load %arg3[%swap3A_12, %swap3A_13] : memref<10000x128xf32, #tpu.memory_space<vmem>>, vector<10000x128xf32>
    tpu.vector_store %arg3[%swap3A_12, %swap3A_13], %mul3A_11 {strides = array<i32>} : memref<10000x128xf32, #tpu.memory_space<vmem>>, vector<10000x128xf32>,
    return
  }
}

module attributes {stable_mosaic.version = 14 : i64} {
  func.func @body(%arg0: memref<10000x128xf32, #tpu.memory_space<vmem>>, %arg1: memref<128x128xf32, #tpu.memory_space<vmem>>, %arg2: memref<10000x128xf32, #tpu.memory_space<vmem>>) attributes {dimension_semantics = [], scalar_prefetch = 0 : i64, scratch_operands = 0 : i64, tpu.core_type = #tpu.core_type<tc>} {
    %get3A = arith.constant 0 : index
    %get3A_0 = arith.constant 0 : index
    %get3A_1 = vector.load %arg0[%get3A, %get3A_0] : memref<10000x128xf32, #tpu.memory_space<vmem>>, vector<10000x128xf32>
    %get3A_2 = arith.constant 0 : index
    %get3A_3 = arith.constant 0 : index
    %get3A_4 = vector.load %arg1[%get3A_2, %get3A_3] : memref<128x128xf32, #tpu.memory_space<vmem>>, vector<128x128xf32>
    %dot_general3A = arith.constant dense<0.000000e+00> : vector<10000x128xf32>
    %dot_general3A_5 = tpu.matmul %get3A_1, %get3A_4, %dot_general3A {dimension_numbers = #tpu.dot_dimension_numbers<[1], [0], [0], [1], [0, 0, 1, 1], [], []>, precision = #tpu.contract_precision<fp32>, transpose_lhs_hint = false} : vector<10000x128xf32>, vector<128x128xf32>, vector<10000x128xf32> -> vector<10000x128xf32>
    %swap3A = arith.constant 0 : index
    %swap3A_6 = arith.constant 0 : index
    %swap3A_7 = vector.load %arg2[%swap3A, %swap3A_6] : memref<10000x128xf32, #tpu.memory_space<vmem>>, vector<10000x128xf32>
    tpu.vector_store %arg2[%swap3A, %swap3A_6], %dot_general3A_5 {strides = array<i32>} : memref<10000x128xf32, #tpu.memory_space<vmem>>, vector<10000x128xf32>,
    return
  }
}

module attributes {stable_mosaic.version = 14 : i64} {
  func.func @body(%arg0: memref<10000x1xf32, #tpu.memory_space<vmem>>, %arg1: memref<10000x128xf32, #tpu.memory_space<vmem>>, %arg2: memref<10000x128xf32, #tpu.memory_space<vmem>>, %arg3: memref<10000x128xf32, #tpu.memory_space<vmem>>, %arg4: memref<1x128xf32, #tpu.memory_space<vmem>>, %arg5: memref<10000x128xf32, #tpu.memory_space<vmem>>) attributes {dimension_semantics = [], scalar_prefetch = 0 : i64, scratch_operands = 0 : i64, tpu.core_type = #tpu.core_type<tc>} {
    %get3A = arith.constant 0 : index
    %get3A_0 = arith.constant 0 : index
    %get3A_1 = vector.load %arg2[%get3A, %get3A_0] : memref<10000x128xf32, #tpu.memory_space<vmem>>, vector<10000x128xf32>
    %get3A_2 = arith.constant 0 : index
    %get3A_3 = arith.constant 0 : index
    %get3A_4 = vector.load %arg3[%get3A_2, %get3A_3] : memref<10000x128xf32, #tpu.memory_space<vmem>>, vector<10000x128xf32>
    %add3A = arith.addf %get3A_1, %get3A_4 : vector<10000x128xf32>
    %get3A_5 = arith.constant 0 : index
    %get3A_6 = arith.constant 0 : index
    %get3A_7 = vector.load %arg1[%get3A_5, %get3A_6] : memref<10000x128xf32, #tpu.memory_space<vmem>>, vector<10000x128xf32>
    %add3A_8 = arith.addf %add3A, %get3A_7 : vector<10000x128xf32>
    %get3A_9 = arith.constant 0 : index
    %get3A_10 = arith.constant 0 : index
    %get3A_11 = vector.load %arg0[%get3A_9, %get3A_10] : memref<10000x1xf32, #tpu.memory_space<vmem>>, vector<10000x1xf32>
    %mul3A = vector.broadcast %get3A_11 : vector<10000x1xf32> to vector<10000x128xf32>
    %mul3A_12 = arith.mulf %add3A_8, %mul3A : vector<10000x128xf32>
    %get3A_13 = arith.constant 0 : index
    %get3A_14 = arith.constant 0 : index
    %get3A_15 = vector.load %arg4[%get3A_13, %get3A_14] : memref<1x128xf32, #tpu.memory_space<vmem>>, vector<1x128xf32>
    %add3A_16 = vector.broadcast %get3A_15 : vector<1x128xf32> to vector<10000x128xf32>
    %add3A_17 = arith.addf %mul3A_12, %add3A_16 : vector<10000x128xf32>
    %max3A = arith.constant 0.000000e+00 : f32
    %max3A_18 = vector.broadcast %max3A : f32 to vector<10000x128xf32>
    %max3A_19 = arith.maximumf %add3A_17, %max3A_18 : vector<10000x128xf32>
    %swap3A = arith.constant 0 : index
    %swap3A_20 = arith.constant 0 : index
    %swap3A_21 = vector.load %arg5[%swap3A, %swap3A_20] : memref<10000x128xf32, #tpu.memory_space<vmem>>, vector<10000x128xf32>
    tpu.vector_store %arg5[%swap3A, %swap3A_20], %max3A_19 {strides = array<i32>} : memref<10000x128xf32, #tpu.memory_space<vmem>>, vector<10000x128xf32>,
    return
  }
}

</mosaic_0001>

<sc_bundles>
// kernel: kernel.10.cloned.1.call-start
scs
__scs_entry_jumppad:
0x0: {  	(pc) =	sbr.rel $0x88, $3  }
0x1: {  	(tag) =	ssettag $0x0;
	lr =	simm.s32 $0x1  }
0x2: {  	[smem:$0x3F9D] =	sst lr;
	_ =	strace $0xD0000000  }
0x3: {  	_ = 	snop  }
0x4: {  	_ = 	snop  }
0x5: {  	_ = 	snop  }
0x6: {  	_ = 	snop  }
0x7: {  	_ = 	snop  }
__scs_overlays_trampoline_lowered:
0x8: {  	[smem:$0x3FAC] =	sst s0  }
0x9: {  	[smem:$0x3FAD] =	sst s1  }
0xa: {  	[smem:$0x3FAE] =	sst s2  }
0xb: {  	[smem:$0x3FAF] =	sst s3  }
0xc: {  	[smem:$0x3FB0] =	sst s4  }
0xd: {  	[smem:$0x3FB1] =	sst s5  }
0xe: {  	[smem:$0x3FB2] =	sst s6  }
0xf: {  	[smem:$0x3FB3] =	sst s7  }
0x10: {  	[smem:$0x3FB4] =	sst s8  }
0x11: {  	[smem:$0x3FB5] =	sst s9;
	s0 =	simm.s32 @!p0 $0x0  }
0x12: {  	s1 =	sld [smem:$0x3F9B];
	s0 =	simm.s32 @p0 $0x1  }
0x13: {  	[smem:$0x3FB6] =	sst s0;
	s0 =	simm.s32 @!p1 $0x0  }
0x14: {  	s2 =	sld [smem:$0x3F9A];
	s0 =	simm.s32 @p1 $0x1  }
0x15: {  	[smem:$0x3FB7] =	sst s0;
	s0 =	simm.s32 @!p2 $0x0  }
0x16: {  	s3 =	sld [smem:$0x3FDB];
	s0 =	simm.s32 @p2 $0x1  }
0x17: {  	s4 =	simm.s32 $0x1BF5;
	[smem:$0x3FB9] =	sst s0  }
0x18: {  	s0 =	sld [smem:$0x3F9C];
	_ =	swait.ge [sflag:s4], $0x0  }
0x19: {  	s7 =	sld [smem:$0x3F9D]  }
0x1a: {  	s8 =	sadd.s32 $0xFFFFE003, lr  }
0x1b: {  	s9 =	sadd.s32 $0xFFFFFEF7, lr;
	s5 =	simm.s32 $0xFFFFFFFF;
	p2 =	slt.u32 s8, $0xFFFFF086  }
0x1c: {  	p1 =	slt.u32 s9, $0xF7A;
	s5 =	simm.s32 @!p2 $0x0  }
0x1d: {  	s5 =	simm.s32 @p1 $0x1;
	p0 =	seq.s32 s7, s2  }
0x1e: {  	s7 =	smul.u32 @!p0 $0xF7A, s2;
	p2 =	seq.s32 @!p0 s5, $0x0  }
0x1f: {  	s9 =	smul.u32 $0xF7A, s1;
	s8 =	simm.s32 @!p0 $0x1BF5;
	p2 =	por !p2, p0  }
0x20: {  	[sflag:s8] =	ssyncset.s32 @!p0 $0xFFFFF086;
	s6 =	sadd.s32 @!p0 s3, s7;
	s7 =	simm.s32 @!p0 $0x108  }
0x21: {  	s3 =	sadd.s32 s3, s9;
	s6 =	sadd.s32 @!p0 $0x88, s6;
	s7 =	simm.s32 @p2 $0x1082  }
0x22: {  	[simem:s7], [sflag:s8] =	dma.local @!p0 [hbm:s6], $0xF7A  }
0x23: {  	s9 =	sor.u32 $0xD0000000, s2;
	s6 =	simm.s32 $0x108;
	_ =	swait.ge @!p0 [sflag:s8], $0x0  }
0x24: {  	s3 =	sadd.s32 $0x88, s3;
	s6 =	simm.s32 @!p1 $0x1082;
	[sflag:s4] =	ssyncset.s32 $0xFFFFF086  }
0x25: {  	[simem:s6], [sflag:s4] =	dma.local [hbm:s3], $0xF7A  }
0x26: {  	[smem:$0x3F9D] =	sst s1;
	(tag) =	ssettag s2;
	_ =	strace s9  }
0x27: {  	s1 =	sld [smem:$0x3FAD]  }
0x28: {  	s2 =	sld [smem:$0x3FAE]  }
0x29: {  	s4 =	sld [smem:$0x3FB0]  }
0x2a: {  	p0 =	seq.s32 s5, $0x0;
	s5 =	sld [smem:$0x3FB1]  }
0x2b: {  	s6 =	sld [smem:$0x3FB2]  }
0x2c: {  	s7 =	sld [smem:$0x3FB3]  }
0x2d: {  	s3 =	simm.s32 $0x108;
	s8 =	sld [smem:$0x3FB4]  }
0x2e: {  	s3 =	simm.s32 @!p0 $0x1082;
	s9 =	sld [smem:$0x3FB5]  }
0x2f: {  	lr =	sadd.s32 s0, s3;
	s0 =	sld [smem:$0x3FAC]  }
0x30: {  	s3 =	sld [smem:$0x3FAF]  }
0x31: {  	[smem:$0x3FB8] =	sst s10  }
0x32: {  	s10 =	sld [smem:$0x3FB6];
	_ =	sdelay $0x3  }
0x33: {  	p0 =	seq.s32 s10, $0x1;
	s10 =	sld [smem:$0x3FB8];
	_ =	sdelay $0x3  }
0x34: {  	[smem:$0x3FB8] =	sst s10  }
0x35: {  	s10 =	sld [smem:$0x3FB7];
	_ =	sdelay $0x3  }
0x36: {  	p1 =	seq.s32 s10, $0x1;
	s10 =	sld [smem:$0x3FB8];
	_ =	sdelay $0x3  }
0x37: {  	[smem:$0x3FB8] =	sst s10  }
0x38: {  	s10 =	sld [smem:$0x3FB9]  }
0x39: {  	_ = 	snop;
	(pc) =	sbr.ind lr, $3  }
0x3a: {  	_ = 	snop  }
0x3b: {  	_ = 	snop  }
0x3c: {  	p2 =	seq.s32 s10, $0x1;
	s10 =	sld [smem:$0x3FB8]  }
0x3d: {  	_ =	shalt  }
0x3e: {  	_ =	shalt  }
0x3f: {  	_ =	shalt  }
0x40: {  	_ =	shalt  }
0x41: {  	_ =	shalt  }
0x42: {  	_ =	shalt  }
0x43: {  	_ =	shalt  }
0x44: {  	_ =	shalt  }
0x45: {  	_ =	shalt  }
0x46: {  	_ =	shalt  }
0x47: {  	_ =	shalt  }
0x48: {  	_ =	shalt  }
0x49: {  	_ =	shalt  }
0x4a: {  	_ =	shalt  }
0x4b: {  	_ =	shalt  }
0x4c: {  	_ =	shalt  }
0x4d: {  	_ =	shalt  }
0x4e: {  	_ =	shalt  }
0x4f: {  	_ =	shalt  }
0x50: {  	_ =	shalt  }
0x51: {  	_ =	shalt  }
0x52: {  	_ =	shalt  }
0x53: {  	_ =	shalt  }
0x54: {  	_ =	shalt  }
0x55: {  	_ =	shalt  }
0x56: {  	_ =	shalt  }
0x57: {  	_ =	shalt  }
0x58: {  	_ =	shalt  }
0x59: {  	_ =	shalt  }
0x5a: {  	_ =	shalt  }
0x5b: {  	_ =	shalt  }
0x5c: {  	_ =	shalt  }
0x5d: {  	_ =	shalt  }
0x5e: {  	_ =	shalt  }
0x5f: {  	_ =	shalt  }
0x60: {  	_ =	shalt  }
0x61: {  	_ =	shalt  }
0x62: {  	_ =	shalt  }
0x63: {  	_ =	shalt  }
0x64: {  	_ =	shalt  }
0x65: {  	_ =	shalt  }
0x66: {  	_ =	shalt  }
0x67: {  	_ =	shalt  }
0x68: {  	_ =	shalt  }
0x69: {  	_ =	shalt  }
0x6a: {  	_ =	shalt  }
0x6b: {  	_ =	shalt  }
0x6c: {  	_ =	shalt  }
0x6d: {  	_ =	shalt  }
0x6e: {  	_ =	shalt  }
0x6f: {  	_ =	shalt  }
0x70: {  	_ =	shalt  }
0x71: {  	_ =	shalt  }
0x72: {  	_ =	shalt  }
0x73: {  	_ =	shalt  }
0x74: {  	_ =	shalt  }
0x75: {  	_ =	shalt  }
0x76: {  	_ =	shalt  }
0x77: {  	_ =	shalt  }
0x78: {  	_ =	shalt  }
0x79: {  	_ =	shalt  }
0x7a: {  	_ =	shalt  }
0x7b: {  	_ =	shalt  }
0x7c: {  	_ =	shalt  }
0x7d: {  	_ =	shalt  }
0x7e: {  	_ =	shalt  }
0x7f: {  	_ =	shalt  }
0x80: {  	_ =	shalt  }
0x81: {  	_ =	shalt  }
0x82: {  	_ =	shalt  }
0x83: {  	_ =	shalt  }
0x84: {  	_ =	shalt  }
0x85: {  	_ =	shalt  }
0x86: {  	_ =	shalt  }
0x87: {  	_ =	shalt  }
.Lfunc_end0:
.L_simem_size_0:
called_computation.1_lowered:
.L_overlay_start_0:
0x88: {  	s2 =	sld [smem:$0x3FD9]  }
0x89: {  	s3 =	sld [smem:$0x3FFE];
	_ =	sdelay $0x1  }
0x8a: {  	s1 =	srdreg.scid  }
0x8b: {  	s0 =	sand.u32 $0x1, s1  }
0x8c: {  	s17 =	sshll.u32 s0, $0xA;
	s2 =	sadd.s32 s3, s2  }
0x8d: {  	s2 =	sadd.s32 s2, s17  }
0x8e: {  	[smem:$0x3FC4] =	sst s2  }
0x8f: {  	_ = 	snop  }
0x90: {  	s2 =	sld [smem:$0x3FD0];
	(tm) =	ssettm $0x1  }
0x91: {  	s18 =	sld [smem:$0x3FFB];
	_ =	sdelay $0x3  }
0x92: {  	_ =	strace s18  }
0x93: {  	s3 =	sld [smem:$0x3FFC];
	_ =	sdelay $0x3  }
0x94: {  	_ =	strace s3  }
0x95: {  	s3 =	sld [smem:$0x3FFD];
	_ =	sdelay $0x3  }
0x96: {  	_ =	strace s3  }
0x97: {  	_ =	strace $0x8FFFFFFF  }
0x98: {  	s19 =	sld [smem:$0x3FDB];
	_ =	sdelay $0x1  }
0x99: {  	s4 =	simm.s32 $_scs_section_size  }
0x9a: {  	s5 =	simm.s32 $_size__tile_overlayer_lowered;
	s6 =	simm.s32 $_tile_overlayer_lowered  }
0x9b: {  	s22 =	simm.s32 $0x1BFF;
	s21 =	sshll.u32 s6, $0x1;
	s3 =	sadd.s32 s4, s19  }
0x9c: {  	s7 =	simm.s32 $0x0;
	s20 =	sshll.u32 s5, $0x1;
	s5 =	sadd.s32 s21, s3  }
0x9d: {  	[timem:s7], [sflag:s22] =	dma.local [hbm:s5], s20  }
0x9e: {  	_ =	swait.ge [sflag:s22], s20  }
0x9f: {  	s4 =	ssub.s32 $0x0, s20;
	[sflag:s22] =	ssyncset.done $0x0  }
0xa0: {  	[sflag:s22] =	ssyncadd.s32 s4;
	_ =	sdelay $0x1  }
0xa1: {  	s23 =	simm.s32 $0x1B8B  }
0xa2: {  	_ =	swait.ge [sflag:s23], $0x1  }
0xa3: {  	[sflag:s23] =	ssyncset.done $0x0  }
0xa4: {  	s25 =	simm.s32 $0x1B8E;
	s24 =	sld [smem:$0x3FFE];
	[sflag:s23] =	ssyncadd.s32 $0xFFFFFFFF  }
0xa5: {  	s26 =	simm.s32 $execute0_lowered;
	[smem:$0x3FD2] =	sst s25  }
0xa6: {  	s5 =	sshll.u32 s26, $0x1;
	_ =	strace $0x80000049;
	[dreg:$0x1] =	wrdreg $0xFFFFFFFF  }
0xa7: {  	s28 =	simm.s32 $_size_execute0_lowered;
	s3 =	sadd.s32 s3, s5;
	[dreg:$0x0] =	wrdreg $0x0  }
0xa8: {  	s5 =	sshll.u32 s28, $0x1;
	[dreg:$0x2] =	wrdreg s3  }
0xa9: {  	[dreg:$0x3] =	wrdreg s5  }
0xaa: {  	[dreg:$0x4] =	wrdreg $0xC0  }
0xab: {  	_ =	task [dreg:s7], $0x5FFFF  }
0xac: {  	[dreg:$0x1] =	wrdreg $0xFFFFFFFF  }
0xad: {  	[dreg:$0x0] =	wrdreg $0x60  }
0xae: {  	[dreg:$0x2] =	wrdreg s24  }
0xaf: {  	[dreg:$0x3] =	wrdreg s2  }
0xb0: {  	[dreg:$0x4] =	wrdreg $0x0  }
0xb1: {  	[dreg:$0x5] =	wrdreg $0x9  }
0xb2: {  	_ =	task.clear_ibuf [dreg:s7], $0x6FFFF;
	_ =	strace $0x90000049  }
0xb3: {  	s29 =	simm.s32 $0x9;
	_ =	strace $0x8000004B  }
0xb4: {  	_ =	swait.ge [sflag:s29], $0x1  }
0xb5: {  	[sflag:s29] =	ssyncadd.s32 $0xFFFFFFFF  }
0xb6: {  	_ =	strace $0x9000004B  }
0xb7: {  	_ =	sfence  }
0xb8: {  	s30 =	sld [smem:$0x0];
	_ =	sdelay $0x2  }
0xb9: {  	s31 =	sshll.u32 s1, $0xD;
	s1 =	sshrl.u32 s1, $0x2  }
0xba: {  	s3 =	sand.u32 $0x4000, s31;
	s1 =	sadd.s32 s1, s30  }
0xbb: {  	s0 =	sor.u32 s3, s0;
	s1 =	sshll.u32 s1, $0x11  }
0xbc: {  	s0 =	sor.u32 s1, s0  }
0xbd: {  	s0 =	sadd.s32 $0x8F2B, s0  }
0xbe: {  	[sflag:s0] =	ssyncadd.remote.s32 $0x1  }
0xbf: {  	_ =	sfence.sel $0xFFFF  }
0xc0: {  	[dreg:$0x0] =	wrdreg $0xFFFFFFFF;
	(pc) =	sbr.abs _section_cstart, $3  }
0xc1: {  	[dreg:$0x1] =	wrdreg $0xFFFFFFFF  }
0xc2: {  	_ =	task.clear_ibuf [dreg:s7], $0x2FFFF;
	_ =	strace $0x9FFFFFFF  }
0xc3: {  	(tm) =	ssettm $0x7FFFFFFF  }
tec
execute0_lowered:
.L_overlay_start_1:
0x0: {  	(tag) =	ssettag $0x1  }
0x1: {  	s0 =	rddreg [dreg:$0x0]  }
0x2: {  	s1 =	rddreg [dreg:$0x1]  }
0x3: {  	s2 =	rddreg [dreg:$0x2];
	s3 =	srdreg.scid;
	s4 =	simm.s32 $0x0  }
0x4: {  	s13 =	stileid.u32;
	s3 =	sand.u32 $0x1, s3;
	[smem:$0x7FF] =	sst s4  }
0x5: {  	s6 =	sadd.s32 $0x2A00, s0;
	s8 =	sadd.s32 $0xC800, s0;
	s22 =	smul.u32 $0x2710, s13  }
0x6: {  	s14 =	sadd.s32 $0x16600, s0;
	s15 =	sadd.s32 $0x3D800, s0;
	s23 =	smul.u32 $0x50000, s13  }
0x7: {  	s24 =	smul.u32 $0xA000, s13;
	p2 =	sgt.u32 s13, $0xC;
	s5 =	sshll.u32 s3, $0x4  }
0x8: {  	s7 =	ssub.s32 $0x2, s3;
	s20 =	smul.u32 $0x27100, s3;
	s5 =	sor.u32 s13, s5  }
0x9: {  	_ =	strace $0x8000004A;
	s9 =	sshrl.u32 s7, $0x1;
	s5 =	smul.u32 $0x2710, s5  }
0xa: {  	p0 =	seq.s32 s3, $0x1;
	[dreg:$0x4] =	wrdreg s14;
	s26 =	ssub.s32 s7, s9  }
0xb: {  	[dreg:$0x5] =	wrdreg s15;
	s0 =	smax.u32 s26, $0x1;
	s5 =	sshrl.u32 s5, $0x3  }
0xc: {  	s3 =	sshrl.u32 s23, $0x2;
	[dreg:$0x10] =	wrdreg s0;
	s9 =	sadd.s32 s6, s5  }
0xd: {  	s10 =	sadd.s32 s8, s5;
	s11 =	sadd.s32 $0xA, s5;
	[dreg:$0x6] =	wrdreg s9  }
0xe: {  	s26 =	sor.u32 $0x20, s13;
	[dreg:$0x7] =	wrdreg s10;
	s12 =	sadd.s32 s6, s11  }
0xf: {  	s16 =	sadd.s32 $0x14, s5;
	s7 =	sadd.s32 s8, s11;
	[dreg:$0x8] =	wrdreg s12  }
0x10: {  	s18 =	sadd.s32 $0x1E, s5;
	s17 =	sadd.s32 s6, s16;
	[dreg:$0x9] =	wrdreg s7  }
0x11: {  	s5 =	sadd.s32 $0x28, s5;
	s19 =	sadd.s32 s6, s18;
	[dreg:$0xa] =	wrdreg s17  }
0x12: {  	s21 =	sadd.s32 s6, s5;
	s5 =	sadd.s32 s8, s5;
	[dreg:$0xc] =	wrdreg s19  }
0x13: {  	s10 =	sor.u32 $0x10, s13;
	s11 =	smul.u32 $0xA000, s26;
	[dreg:$0xe] =	wrdreg s21  }
0x14: {  	s7 =	sadd.s32 s8, s16;
	[dreg:$0xf] =	wrdreg s5;
	s25 =	smul.u32 $0xA000, s10  }
0x15: {  	s9 =	smul.u32 $0x500, s10;
	s12 =	sor.u32 $0x30, s13;
	s16 =	sshrl.u32 s24, $0x2  }
0x16: {  	[dreg:$0xb] =	wrdreg s7;
	s7 =	sadd.s32 s8, s18;
	s17 =	smul.u32 $0xA000, s12  }
0x17: {  	s18 =	sor.u32 $0x40, s13;
	s21 =	sshrl.u32 s11, $0x2;
	s11 =	sor.u32 $0x60, s13  }
0x18: {  	[dreg:$0xd] =	wrdreg s7;
	s7 =	sadd.s32 s22, s20;
	s20 =	sadd.s32 s3, s2  }
0x19: {  	s0 =	sshrl.u32 s25, $0x2;
	s3 =	sadd.s32 s16, s2;
	s19 =	smul.u32 $0xA000, s18  }
0x1a: {  	s22 =	sor.u32 $0x50, s13;
	s23 =	sadd.s32 s21, s2;
	s21 =	sadd.s32 s14, s9  }
0x1b: {  	s7 =	sadd.s32 $0x190, s7;
	[dreg:$0x13] =	wrdreg s3;
	s0 =	sadd.s32 s0, s2  }
0x1c: {  	s5 =	sshrl.u32 s17, $0x2;
	s17 =	smul.u32 $0x500, s13;
	[dreg:$0x17] =	wrdreg s21  }
0x1d: {  	s29 =	sadd.s32 $0x5000, s20;
	s30 =	sadd.s32 $0x7800, s20;
	s31 =	sadd.s32 $0x11800, s20  }
0x1e: {  	s7 =	sshrl.u32 s7, $0x3;
	[dreg:$0x14] =	wrdreg s0;
	s0 =	sshrl.u32 s19, $0x2  }
0x1f: {  	s8 =	sadd.s32 s7, s8;
	s6 =	sadd.s32 s7, s6;
	s7 =	smul.u32 $0x500, s26  }
0x20: {  	s24 =	sadd.s32 s5, s2;
	s5 =	sadd.s32 $0xC800, s20;
	s26 =	smul.u32 $0xA000, s22  }
0x21: {  	s25 =	sadd.s32 s0, s2;
	s0 =	smul.u32 $0x500, s22;
	[dreg:$0x11] =	wrdreg s8  }
0x22: {  	s19 =	sadd.s32 s15, s17;
	[dreg:$0x12] =	wrdreg s6;
	s8 =	smul.u32 $0x500, s12  }
0x23: {  	s22 =	sadd.s32 s15, s9;
	s6 =	smul.u32 $0x500, s18;
	[dreg:$0x16] =	wrdreg s19  }
0x24: {  	s12 =	smul.u32 $0xA000, s11;
	s18 =	sadd.s32 s14, s17;
	[dreg:$0x18] =	wrdreg s22  }
0x25: {  	s22 =	sor.u32 $0x70, s13;
	s13 =	simm.s32 $0x3;
	s3 =	sshrl.u32 s26, $0x2  }
0x26: {  	[dreg:$0x15] =	wrdreg s18;
	s9 =	sadd.s32 s14, s7;
	s10 =	sadd.s32 s15, s7  }
0x27: {  	s18 =	sadd.s32 s14, s0;
	s0 =	sadd.s32 s15, s0;
	p1 =	slt.u32 s22, $0x7D  }
0x28: {  	p3 =	sgt.u32 s22, $0x7C;
	[smem:$0x7FC] =	sst s22;
	s7 =	smul.u32 $0x500, s22  }
0x29: {  	s16 =	sshrl.u32 s12, $0x2;
	s26 =	sadd.s32 s3, s2;
	[dreg:$0x19] =	wrdreg s9  }
0x2a: {  	s3 =	smul.u32 $0x500, s11;
	[dreg:$0x1a] =	wrdreg s10;
	s11 =	sadd.s32 s14, s8  }
0x2b: {  	s12 =	sadd.s32 s15, s8;
	s17 =	sadd.s32 s15, s6;
	[dreg:$0x1f] =	wrdreg s18  }
0x2c: {  	[smem:$0x7F9] =	sst s0;
	s0 =	sadd.s32 $0x2800, s20;
	s8 =	simm.s32 $0x14080  }
0x2d: {  	s9 =	simm.s32 $0x14100;
	s10 =	simm.s32 $0x1C000;
	[dreg:$0x1b] =	wrdreg s11  }
0x2e: {  	s28 =	sadd.s32 s16, s2;
	[dreg:$0x1c] =	wrdreg s12;
	s16 =	sadd.s32 s14, s6  }
.Ltmp0:
0x2f: {  	[dreg:$0x1e] =	wrdreg s17;
	s6 =	sadd.s32 $0xF000, s20;
	(pc) =	sbr.rel .LBB2_1-.Ltmp0, $4  }
0x30: {  	[smem:$0x7FD] =	sst s7;
	s7 =	simm.s32 $0x14000;
	s11 =	simm.s32 $0x1  }
0x31: {  	s12 =	simm.s32 $0x50;
	[dreg:$0x1d] =	wrdreg s16;
	s19 =	sadd.s32 s14, s3  }
0x32: {  	s21 =	sadd.s32 s15, s3;
	s3 =	sadd.s32 $0xA000, s20;
	[smem:$0x7FA] =	sst s19  }
0x33: {  	v0 =	vimm.f32 $0.0e+00;
	s14 =	simm.s32 $0x2;
	s15 =	simm.s32 $0x0;
	[smem:$0x7FB] =	sst s21  }
.LBB2_10:
0x34: {  	s18 =	sld [smem:$0x7FC];
	_ =	sdelay $0x2  }
0x35: {  	s18 =	smul.u32 $0xA000, s18  }
0x36: {  	s19 =	sld [smem:$0x7FD]  }
0x37: {  	s18 =	sshrl.u32 s18, $0x2  }
0x38: {  	s18 =	sadd.s32 s18, s2  }
0x39: {  	s17 =	sadd.s32 s17, s19;
	s18 =	sshrl.u32 s18, $0x3  }
0x3a: {  	[hbm:s17], [sflag:s16] =	dma.local [spmem:s18], $0x500  }
.LBB2_11:
0x3b: {  	_ =	swait.ge [sflag:s13], $0x500  }
0x3c: {  	[sflag:s13] =	ssyncset.done $0x0  }
0x3d: {  	[sflag:s13] =	ssyncadd.s32 $0xFFFFFB00  }
0x3e: {  	_ =	swait.ge [sflag:s13], $0x500  }
0x3f: {  	[sflag:s13] =	ssyncset.done $0x0  }
0x40: {  	[sflag:s13] =	ssyncadd.s32 $0xFFFFFB00  }
0x41: {  	_ =	swait.ge [sflag:s13], $0x500  }
0x42: {  	[sflag:s13] =	ssyncset.done $0x0  }
0x43: {  	[sflag:s13] =	ssyncadd.s32 $0xFFFFFB00  }
0x44: {  	_ =	swait.ge [sflag:s13], $0x500  }
0x45: {  	[sflag:s13] =	ssyncset.done $0x0  }
0x46: {  	[sflag:s13] =	ssyncadd.s32 $0xFFFFFB00  }
0x47: {  	_ =	swait.ge [sflag:s13], $0x500  }
0x48: {  	[sflag:s13] =	ssyncset.done $0x0  }
0x49: {  	[sflag:s13] =	ssyncadd.s32 $0xFFFFFB00  }
0x4a: {  	_ =	swait.ge [sflag:s13], $0x500  }
0x4b: {  	[sflag:s13] =	ssyncset.done $0x0  }
0x4c: {  	[sflag:s13] =	ssyncadd.s32 $0xFFFFFB00  }
0x4d: {  	_ =	swait.ge [sflag:s13], $0x500  }
0x4e: {  	[sflag:s13] =	ssyncset.done $0x0  }
0x4f: {  	s16 =	simm.s32 @!p2 $0x3;
	[sflag:s13] =	ssyncadd.s32 $0xFFFFFB00  }
0x50: {  	_ =	swait.ge @!p2 [sflag:s16], $0x500  }
0x51: {  	s15 =	sadd.s32 $0x1, s15;
	s17 =	rddreg [dreg:$0x10]  }
0x52: {  	p4 =	sne.s32 s15, s17  }
.Ltmp1:
0x53: {  	_ = 	snop;
	(pc) =	sbr.rel @!p4 .LBB2_12-.Ltmp1, $3  }
0x54: {  	_ =	sdelay $0x1  }
0x55: {  	[sflag:s16] =	ssyncset.done @!p2 $0x0  }
0x56: {  	[sflag:s16] =	ssyncadd.s32 @!p2 $0xFFFFFB00  }
.LBB2_1:
0x57: {  	s16 =	rddreg [dreg:$0x6]  }
0x58: {  	[tilespmem:s7], [sflag:$0x1] =	stream.linear.gather [hbm4b:s16+s4], $0x50, $0x38;
	[tilespmem:$0x1E800] =	vst v63  }
0x59: {  	s21 =	rddreg [dreg:$0x7];
	s17 =	simm.s32 $0x14400  }
0x5a: {  	[tilespmem:s17], [sflag:$0x1] =	stream.linear.gather [hbm4b:s21+s4], $0x50, $0x38;
	[tilespmem:$0x1E800] =	vst v63  }
0x5b: {  	s22 =	rddreg [dreg:$0x8]  }
0x5c: {  	[tilespmem:s8], [sflag:$0x1] =	stream.linear.gather [hbm4b:s22+s4], $0x50, $0x38;
	[tilespmem:$0x1E800] =	vst v63  }
0x5d: {  	s18 =	simm.s32 $0x14480;
	s17 =	rddreg [dreg:$0x9]  }
0x5e: {  	[tilespmem:s18], [sflag:$0x1] =	stream.linear.gather [hbm4b:s17+s4], $0x50, $0x38;
	[tilespmem:$0x1E800] =	vst v63  }
0x5f: {  	s19 =	rddreg [dreg:$0xa]  }
0x60: {  	[tilespmem:s9], [sflag:$0x1] =	stream.linear.gather [hbm4b:s19+s4], $0x50, $0x38;
	[tilespmem:$0x1E800] =	vst v63  }
0x61: {  	s21 =	rddreg [dreg:$0xb];
	s22 =	simm.s32 $0x14500  }
0x62: {  	[tilespmem:s22], [sflag:$0x1] =	stream.linear.gather [hbm4b:s21+s4], $0x50, $0x38;
	[tilespmem:$0x1E800] =	vst v63  }
0x63: {  	s18 =	rddreg [dreg:$0xc];
	s19 =	simm.s32 $0x14180  }
0x64: {  	[tilespmem:s19], [sflag:$0x1] =	stream.linear.gather [hbm4b:s18+s4], $0x50, $0x38;
	[tilespmem:$0x1E800] =	vst v63  }
0x65: {  	s21 =	rddreg [dreg:$0xd];
	s22 =	simm.s32 $0x14580  }
0x66: {  	[tilespmem:s22], [sflag:$0x1] =	stream.linear.gather [hbm4b:s21+s4], $0x50, $0x38;
	[tilespmem:$0x1E800] =	vst v63  }
0x67: {  	s16 =	simm.s32 $0x0;
	s18 =	rddreg [dreg:$0xe];
	s19 =	simm.s32 $0x14200  }
0x68: {  	[tilespmem:s19], [sflag:$0x1] =	stream.linear.gather [hbm4b:s18+s4], $0x50, $0x38;
	[tilespmem:$0x1E800] =	vst v63  }
0x69: {  	s17 =	simm.s32 $0x200;
	s21 =	rddreg [dreg:$0xf];
	s22 =	simm.s32 $0x14600  }
0x6a: {  	[tilespmem:s22], [sflag:$0x1] =	stream.linear.gather [hbm4b:s21+s4], $0x50, $0x38;
	[tilespmem:$0x1E800] =	vst v63  }
.LBB2_2:
0x6b: {  	p4 =	sne.s32 s17, $0x9E00;
	[tilespmem:s16+$0x1C070] =	vst v0  }
0x6c: {  	[tilespmem:s16+$0x1C000] =	vst v0  }
0x6d: {  	[tilespmem:s16+$0x1C010] =	vst v0  }
.Ltmp2:
0x6e: {  	[tilespmem:s16+$0x1C020] =	vst v0;
	(pc) =	sbr.rel @p4 .LBB2_2-.Ltmp2, $4  }
0x6f: {  	[tilespmem:s16+$0x1C030] =	vst v0  }
0x70: {  	[tilespmem:s16+$0x1C040] =	vst v0  }
0x71: {  	[tilespmem:s16+$0x1C050] =	vst v0  }
0x72: {  	[tilespmem:s16+$0x1C060] =	vst v0;
	s16 =	sshra.s32 s17, $0x2;
	s17 =	sadd.s32 $0x200, s17  }
0x73: {  	[tilespmem:s16+$0x1C070] =	vst v0  }
0x74: {  	[tilespmem:s16+$0x1C000] =	vst v0  }
0x75: {  	[tilespmem:s16+$0x1C010] =	vst v0  }
0x76: {  	[tilespmem:s16+$0x1C020] =	vst v0  }
0x77: {  	[tilespmem:s16+$0x1C030] =	vst v0  }
0x78: {  	[tilespmem:s16+$0x1C040] =	vst v0  }
0x79: {  	[tilespmem:s16+$0x1C050] =	vst v0  }
0x7a: {  	[tilespmem:s16+$0x1C060] =	vst v0  }
0x7b: {  	[spmem:s20] =	stream.linear.scatter [tilespmem:s10], [sflag:$0x3], $0x2800, $0x38;
	[tilespmem:$0x1E800] =	vst v63  }
0x7c: {  	_ = 	snop  }
0x7d: {  	[spmem:s0] =	stream.linear.scatter [tilespmem:s10], [sflag:$0x3], $0x2800, $0x38;
	[tilespmem:$0x1E800] =	vst v63  }
0x7e: {  	_ = 	snop  }
0x7f: {  	[spmem:s29] =	stream.linear.scatter [tilespmem:s10], [sflag:$0x3], $0x2800, $0x38;
	[tilespmem:$0x1E800] =	vst v63  }
0x80: {  	_ = 	snop  }
0x81: {  	[spmem:s30] =	stream.linear.scatter [tilespmem:s10], [sflag:$0x3], $0x2800, $0x38;
	[tilespmem:$0x1E800] =	vst v63  }
0x82: {  	_ = 	snop  }
0x83: {  	[spmem:s3] =	stream.linear.scatter [tilespmem:s10], [sflag:$0x3], $0x2800, $0x38;
	[tilespmem:$0x1E800] =	vst v63  }
0x84: {  	_ = 	snop  }
0x85: {  	[spmem:s5] =	stream.linear.scatter [tilespmem:s10], [sflag:$0x3], $0x2800, $0x38;
	[tilespmem:$0x1E800] =	vst v63  }
0x86: {  	_ = 	snop  }
0x87: {  	[spmem:s6] =	stream.linear.scatter [tilespmem:s10], [sflag:$0x3], $0x2800, $0x38;
	[tilespmem:$0x1E800] =	vst v63  }
0x88: {  	_ = 	snop  }
0x89: {  	[spmem:s31] =	stream.linear.scatter [tilespmem:s10], [sflag:$0x3], $0x2800, $0x38;
	[tilespmem:$0x1E800] =	vst v63  }
0x8a: {  	_ =	swait.ge [sflag:s11], $0x50  }
0x8b: {  	[sflag:s11] =	ssyncset.done $0x0  }
0x8c: {  	[sflag:s11] =	ssyncadd.s32 $0xFFFFFFB0  }
0x8d: {  	_ =	swait.ge [sflag:s11], $0x50  }
0x8e: {  	[sflag:s11] =	ssyncset.done $0x0  }
0x8f: {  	s19 =	simm.s32 $0x14800;
	[sflag:s11] =	ssyncadd.s32 $0xFFFFFFB0  }
0x90: {  	[tilespmem:s19], [sflag:$0x2] =	stream.indirect.gather [hbm4b:s1+s12], $0x80, s7, s12, $0xb8;
	[tilespmem:$0x1E800] =	vst v63  }
0x91: {  	_ =	swait.ge [sflag:s11], $0x50  }
0x92: {  	[sflag:s11] =	ssyncset.done $0x0  }
0x93: {  	[sflag:s11] =	ssyncadd.s32 $0xFFFFFFB0  }
0x94: {  	_ =	swait.ge [sflag:s11], $0x50  }
0x95: {  	[sflag:s11] =	ssyncset.done $0x0  }
0x96: {  	s21 =	simm.s32 $0x17000;
	[sflag:s11] =	ssyncadd.s32 $0xFFFFFFB0  }
0x97: {  	[tilespmem:s21], [sflag:$0x2] =	stream.indirect.gather [hbm4b:s1+s12], $0x80, s8, s12, $0xb8;
	[tilespmem:$0x1E800] =	vst v63  }
0x98: {  	_ =	swait.ge [sflag:s11], $0x50  }
0x99: {  	[sflag:s11] =	ssyncset.done $0x0  }
0x9a: {  	[sflag:s11] =	ssyncadd.s32 $0xFFFFFFB0  }
0x9b: {  	_ =	swait.ge [sflag:s11], $0x50  }
0x9c: {  	[sflag:s11] =	ssyncset.done $0x0  }
0x9d: {  	s22 =	simm.s32 $0x19800;
	[sflag:s11] =	ssyncadd.s32 $0xFFFFFFB0  }
0x9e: {  	[tilespmem:s22], [sflag:$0x2] =	stream.indirect.gather [hbm4b:s1+s12], $0x80, s9, s12, $0xb8;
	[tilespmem:$0x1E800] =	vst v63  }
0x9f: {  	_ =	swait.ge [sflag:s13], $0x2800  }
0xa0: {  	[sflag:s13] =	ssyncset.done $0x0  }
0xa1: {  	[sflag:s13] =	ssyncadd.s32 $0xFFFFD800  }
0xa2: {  	_ =	swait.ge [sflag:s13], $0x2800  }
0xa3: {  	[sflag:s13] =	ssyncset.done $0x0  }
0xa4: {  	[sflag:s13] =	ssyncadd.s32 $0xFFFFD800  }
0xa5: {  	_ =	swait.ge [sflag:s13], $0x2800  }
0xa6: {  	[sflag:s13] =	ssyncset.done $0x0  }
0xa7: {  	[sflag:s13] =	ssyncadd.s32 $0xFFFFD800  }
0xa8: {  	_ =	swait.ge [sflag:s13], $0x2800  }
0xa9: {  	[sflag:s13] =	ssyncset.done $0x0  }
0xaa: {  	[sflag:s13] =	ssyncadd.s32 $0xFFFFD800  }
0xab: {  	_ =	swait.ge [sflag:s13], $0x2800  }
0xac: {  	[sflag:s13] =	ssyncset.done $0x0  }
0xad: {  	[sflag:s13] =	ssyncadd.s32 $0xFFFFD800  }
0xae: {  	_ =	swait.ge [sflag:s13], $0x2800  }
0xaf: {  	[sflag:s13] =	ssyncset.done $0x0  }
0xb0: {  	[sflag:s13] =	ssyncadd.s32 $0xFFFFD800  }
0xb1: {  	_ =	swait.ge [sflag:s13], $0x2800  }
0xb2: {  	[sflag:s13] =	ssyncset.done $0x0  }
0xb3: {  	[sflag:s13] =	ssyncadd.s32 $0xFFFFD800  }
0xb4: {  	_ =	swait.ge [sflag:s13], $0x2800  }
.Ltmp3:
0xb5: {  	[sflag:s13] =	ssyncset.done $0x0;
	(pc) =	sbr.rel .LBB2_4-.Ltmp3, $4  }
0xb6: {  	[sflag:s13] =	ssyncadd.s32 $0xFFFFD800  }
0xb7: {  	[bflag:$0x0] =	sbarrier.arrive $0xFFFF  }
0xb8: {  	s19 =	rddreg [dreg:$0x12]  }
0xb9: {  	s16 =	simm.s32 $0x5;
	s18 =	rddreg [dreg:$0x11]  }
.LBB2_6:
0xba: {  	s16 =	sadd.s32 $0x1, s16  }
0xbb: {  	p4 =	sne.s32 s16, $0x82  }
.Ltmp4:
0xbc: {  	_ = 	snop;
	(pc) =	sbr.rel @!p4 .LBB2_7-.Ltmp4, $2  }
0xbd: {  	_ =	sdelay $0x2  }
0xbe: {  	s18 =	sadd.s32 $0xA, s18;
	s19 =	sadd.s32 $0xA, s19  }
.LBB2_4:
0xbf: {  	s17 =	sadd.s32 $0xFFFFFFFB, s16  }
0xc0: {  	s21 =	smul.u32 $0xAB, s17;
	_ =	sdelay $0x1  }
0xc1: {  	s21 =	sshrl.u32 s21, $0xA  }
0xc2: {  	s21 =	sand.u32 $0x3F, s21  }
0xc3: {  	s21 =	smul.u32 $0x6, s21  }
0xc4: {  	_ =	swait.ge [sflag:s14], $0x2800;
	s22 =	sand.u32 $0x3, s17  }
0xc5: {  	p4 =	seq.s32 s16, $0x5;
	s22 =	smul.u32 $0xA000, s22;
	s21 =	ssub.s32 s17, s21  }
0xc6: {  	[sflag:s14] =	ssyncset.done $0x0;
	p5 =	sgt.u32 @!p4 s17, $0x79;
	s21 =	sand.u32 $0x77, s21  }
0xc7: {  	[sflag:s14] =	ssyncadd.s32 $0xFFFFD800;
	s22 =	sshrl.u32 s22, $0x2;
	s21 =	sshll.u32 s21, $0x7  }
0xc8: {  	p5 =	por p4, !p5;
	s22 =	sadd.s32 $0x14800, s22;
	s21 =	sor.u32 $0x14400, s21  }
0xc9: {  	[spmem:s2] =	stream.indirect.scatter.add.f32 [tilespmem:s22], [sflag:$0x3], $0x80, s21, s12, $0xb8;
	[tilespmem:$0x1E800] =	vst v63  }
.Ltmp5:
0xca: {  	_ = 	snop;
	(pc) =	sbr.rel @!p5 .LBB2_6-.Ltmp5, $4  }
0xcb: {  	s21 =	simm.s32 @!p4 $0x3  }
0xcc: {  	_ =	swait.ge @!p4 [sflag:s21], $0x2800  }
0xcd: {  	[sflag:s21] =	ssyncset.done @!p4 $0x0  }
0xce: {  	[sflag:s21] =	ssyncadd.s32 @!p4 $0xFFFFD800  }
0xcf: {  	s21 =	sadd.s32 $0xFFFFFFFE, s16  }
0xd0: {  	s22 =	smul.u32 $0xAB, s21;
	_ =	sdelay $0x1  }
0xd1: {  	s22 =	sshrl.u32 s22, $0xA  }
0xd2: {  	_ =	swait.ge [sflag:s11], $0x50;
	p4 =	sgt.u32 s17, $0x77;
	s22 =	sand.u32 $0x3F, s22  }
0xd3: {  	[sflag:s11] =	ssyncset.done $0x0;
	s17 =	sand.u32 $0x3, s21;
	s22 =	smul.u32 $0x6, s22  }
0xd4: {  	[sflag:s11] =	ssyncadd.s32 $0xFFFFFFB0;
	s17 =	smul.u32 $0xA000, s17  }
0xd5: {  	_ =	swait.ge [sflag:s11], $0x50;
	s22 =	ssub.s32 s21, s22;
	s21 =	smul.u32 @!p4 $0xAB, s16  }
0xd6: {  	[sflag:s11] =	ssyncset.done $0x0  }
0xd7: {  	s17 =	sshrl.u32 s17, $0x2;
	s22 =	sand.u32 $0x7F, s22;
	s21 =	sshrl.u32 @!p4 s21, $0xA  }
0xd8: {  	[sflag:s11] =	ssyncadd.s32 $0xFFFFFFB0;
	s22 =	sshll.u32 s22, $0x7;
	s21 =	sand.u32 @!p4 $0x3F, s21  }
0xd9: {  	s17 =	sadd.s32 $0x14800, s17;
	s22 =	sor.u32 $0x14000, s22;
	s21 =	smul.u32 @!p4 $0x6, s21  }
0xda: {  	[tilespmem:s17], [sflag:$0x2] =	stream.indirect.gather [hbm4b:s1+s12], $0x80, s22, s12, $0xb8;
	[tilespmem:$0x1E800] =	vst v63  }
0xdb: {  	s17 =	ssub.s32 @!p4 s16, s21  }
0xdc: {  	s17 =	sand.u32 @!p4 $0xFF, s17  }
.Ltmp6:
0xdd: {  	s17 =	sshll.u32 @!p4 s17, $0x7;
	(pc) =	sbr.rel .LBB2_6-.Ltmp6, $4  }
0xde: {  	s22 =	simm.s32 @!p4 $0x0;
	s21 =	sor.u32 @!p4 $0x14000, s17  }
0xdf: {  	[tilespmem:s21], [sflag:$0x1] =	stream.linear.gather @!p4 [hbm4b:s19+s22], $0x50, $0x38;
	[tilespmem:$0x1E800] =	vst v63  }
0xe0: {  	s17 =	sor.u32 @!p4 $0x14400, s17  }
0xe1: {  	[tilespmem:s17], [sflag:$0x1] =	stream.linear.gather @!p4 [hbm4b:s18+s22], $0x50, $0x38;
	[tilespmem:$0x1E800] =	vst v63  }
.LBB2_7:
0xe2: {  	_ =	swait.ge [sflag:s13], $0x2800  }
0xe3: {  	[sflag:s13] =	ssyncset.done $0x0  }
.Ltmp7:
0xe4: {  	[sflag:s13] =	ssyncadd.s32 $0xFFFFD800;
	(pc) =	sbr.rel @!p0 .LBB2_9-.Ltmp7, $4  }
0xe5: {  	[bflag:$0x0] =	sbarrier.arrive $0xFFFF  }
0xe6: {  	s16 =	stileid.u32;
	s17 =	rddreg [dreg:$0x13]  }
0xe7: {  	s16 =	sshll.u32 s16, $0x6;
	s18 =	rddreg [dreg:$0x14]  }
0xe8: {  	s16 =	sor.u32 $0x1C03, s16;
	s17 =	sshrl.u32 s17, $0x3;
	s18 =	sshrl.u32 s18, $0x3  }
0xe9: {  	s19 =	rddreg [dreg:$0x16]  }
0xea: {  	[hbm:s19], [sflag:s16] =	dma.local [spmem:s17], $0x500  }
0xeb: {  	s17 =	rddreg [dreg:$0x18]  }
0xec: {  	[hbm:s17], [sflag:s16] =	dma.local [spmem:s18], $0x500  }
0xed: {  	s21 =	sshrl.u32 s23, $0x3;
	s18 =	rddreg [dreg:$0x1a]  }
0xee: {  	[hbm:s18], [sflag:s16] =	dma.local [spmem:s21], $0x500  }
0xef: {  	s22 =	sshrl.u32 s24, $0x3;
	s18 =	rddreg [dreg:$0x1c]  }
0xf0: {  	[hbm:s18], [sflag:s16] =	dma.local [spmem:s22], $0x500  }
0xf1: {  	s19 =	sshrl.u32 s25, $0x3;
	s18 =	rddreg [dreg:$0x1e]  }
0xf2: {  	[hbm:s18], [sflag:s16] =	dma.local [spmem:s19], $0x500  }
0xf3: {  	s18 =	sld [smem:$0x7F9];
	_ =	sdelay $0x1  }
0xf4: {  	s21 =	sshrl.u32 s26, $0x3  }
0xf5: {  	[hbm:s18], [sflag:s16] =	dma.local [spmem:s21], $0x500  }
.Ltmp8:
0xf6: {  	s18 =	sld [smem:$0x7FB];
	(pc) =	sbr.rel @p1 .LBB2_10-.Ltmp8, $4  }
.Ltmp9:
0xf7: {  	_ = 	snop;
	(pc) =	sbr.rel @!p1 .LBB2_11-.Ltmp9, $4  }
0xf8: {  	s22 =	sshrl.u32 s28, $0x3  }
0xf9: {  	[hbm:s18], [sflag:s16] =	dma.local [spmem:s22], $0x500  }
0xfa: {  	s17 =	rddreg [dreg:$0x5]  }
0xfb: {  	_ = 	snop  }
.LBB2_9:
0xfc: {  	s19 =	rddreg [dreg:$0x15]  }
0xfd: {  	[hbm:s19], [sflag:s16] =	dma.local [spmem:s17], $0x500  }
0xfe: {  	s17 =	rddreg [dreg:$0x17]  }
0xff: {  	[hbm:s17], [sflag:s16] =	dma.local [spmem:s18], $0x500  }
0x100: {  	s21 =	sshrl.u32 s23, $0x3;
	s18 =	rddreg [dreg:$0x19]  }
0x101: {  	[hbm:s18], [sflag:s16] =	dma.local [spmem:s21], $0x500  }
0x102: {  	s22 =	sshrl.u32 s24, $0x3;
	s18 =	rddreg [dreg:$0x1b]  }
0x103: {  	[hbm:s18], [sflag:s16] =	dma.local [spmem:s22], $0x500  }
0x104: {  	s19 =	sshrl.u32 s25, $0x3;
	s18 =	rddreg [dreg:$0x1d]  }
0x105: {  	[hbm:s18], [sflag:s16] =	dma.local [spmem:s19], $0x500  }
0x106: {  	s21 =	sshrl.u32 s26, $0x3;
	s18 =	rddreg [dreg:$0x1f]  }
0x107: {  	[hbm:s18], [sflag:s16] =	dma.local [spmem:s21], $0x500  }
.Ltmp10:
0x108: {  	s18 =	sld [smem:$0x7FA];
	(pc) =	sbr.rel @p3 .LBB2_11-.Ltmp10, $4  }
.Ltmp11:
0x109: {  	_ = 	snop;
	(pc) =	sbr.rel @!p3 .LBB2_10-.Ltmp11, $4  }
0x10a: {  	s22 =	sshrl.u32 s28, $0x3  }
0x10b: {  	[hbm:s18], [sflag:s16] =	dma.local [spmem:s22], $0x500  }
0x10c: {  	s17 =	rddreg [dreg:$0x4]  }
0x10d: {  	_ = 	snop  }
.LBB2_12:
0x10e: {  	_ =	sfence.sel $0x180000  }
0x10f: {  	[bflag:$0x0] =	sbarrier.arrive $0xFFFF  }
0x110: {  	_ =	strace $0x9000004A  }
0x111: {  	s0 =	stileid.u32;
	[bflag:$0x2] =	sbarrier.arrive $0xFFFF  }
0x112: {  	p0 =	sne.s32 s0, $0x0;
	s0 =	rddreg [dreg:$0x3]  }
0x113: {  	s0 =	sadd.s32 @!p0 $0x100000, s0  }
0x114: {  	[sflag:s0] =	ssyncadd.tile.s32 @!p0 $0x1;
	_ =	shalt  }
.Lfunc_end2:
_tile_overlayer_lowered:
.L_overlay_start_2:
0x115: {  	(tag) =	ssettag $0x2  }
0x116: {  	s0 =	rddreg [dreg:$0x0];
	s2 =	stileid.u32  }
0x117: {  	s1 =	rddreg [dreg:$0x1];
	p0 =	sne.s32 s2, $0x0  }
0x118: {  	s3 =	rddreg [dreg:$0x2];
	[bflag:$0x3] =	sbarrier.arrive $0xFFFF;
	s2 =	simm.s32 @!p0 $0x1C04  }
0x119: {  	[timem:s3], [sflag:s2] =	dma.local @!p0 [hbm:s0], s1  }
0x11a: {  	s0 =	simm.s32 @!p0 $0x4  }
0x11b: {  	_ =	swait.ge @!p0 [sflag:s0], s1  }
0x11c: {  	s1 =	ssub.s32 @!p0 $0x0, s1;
	[sflag:s0] =	ssyncset.done @!p0 $0x0  }
0x11d: {  	[sflag:s0] =	ssyncadd.s32 @!p0 s1  }
0x11e: {  	[bflag:$0x3] =	sbarrier.arrive $0xFFFF  }
0x11f: {  	_ =	shalt  }

// kernel: kernel.7.cloned.1.call-start
scs
__scs_entry_jumppad:
0x0: {  	(pc) =	sbr.rel $0x88, $3  }
0x1: {  	(tag) =	ssettag $0x0;
	lr =	simm.s32 $0x1  }
0x2: {  	[smem:$0x3F9D] =	sst lr;
	_ =	strace $0xD0000000  }
0x3: {  	_ = 	snop  }
0x4: {  	_ = 	snop  }
0x5: {  	_ = 	snop  }
0x6: {  	_ = 	snop  }
0x7: {  	_ = 	snop  }
__scs_overlays_trampoline_lowered:
0x8: {  	[smem:$0x3FAC] =	sst s0  }
0x9: {  	[smem:$0x3FAD] =	sst s1  }
0xa: {  	[smem:$0x3FAE] =	sst s2  }
0xb: {  	[smem:$0x3FAF] =	sst s3  }
0xc: {  	[smem:$0x3FB0] =	sst s4  }
0xd: {  	[smem:$0x3FB1] =	sst s5  }
0xe: {  	[smem:$0x3FB2] =	sst s6  }
0xf: {  	[smem:$0x3FB3] =	sst s7  }
0x10: {  	[smem:$0x3FB4] =	sst s8  }
0x11: {  	[smem:$0x3FB5] =	sst s9;
	s0 =	simm.s32 @!p0 $0x0  }
0x12: {  	s1 =	sld [smem:$0x3F9B];
	s0 =	simm.s32 @p0 $0x1  }
0x13: {  	[smem:$0x3FB6] =	sst s0;
	s0 =	simm.s32 @!p1 $0x0  }
0x14: {  	s2 =	sld [smem:$0x3F9A];
	s0 =	simm.s32 @p1 $0x1  }
0x15: {  	[smem:$0x3FB7] =	sst s0;
	s0 =	simm.s32 @!p2 $0x0  }
0x16: {  	s3 =	sld [smem:$0x3FDB];
	s0 =	simm.s32 @p2 $0x1  }
0x17: {  	s4 =	simm.s32 $0x1BF5;
	[smem:$0x3FB9] =	sst s0  }
0x18: {  	s0 =	sld [smem:$0x3F9C];
	_ =	swait.ge [sflag:s4], $0x0  }
0x19: {  	s7 =	sld [smem:$0x3F9D]  }
0x1a: {  	s8 =	sadd.s32 $0xFFFFE003, lr  }
0x1b: {  	s9 =	sadd.s32 $0xFFFFFEF7, lr;
	s5 =	simm.s32 $0xFFFFFFFF;
	p2 =	slt.u32 s8, $0xFFFFF086  }
0x1c: {  	p1 =	slt.u32 s9, $0xF7A;
	s5 =	simm.s32 @!p2 $0x0  }
0x1d: {  	s5 =	simm.s32 @p1 $0x1;
	p0 =	seq.s32 s7, s2  }
0x1e: {  	s7 =	smul.u32 @!p0 $0xF7A, s2;
	p2 =	seq.s32 @!p0 s5, $0x0  }
0x1f: {  	s9 =	smul.u32 $0xF7A, s1;
	s8 =	simm.s32 @!p0 $0x1BF5;
	p2 =	por !p2, p0  }
0x20: {  	[sflag:s8] =	ssyncset.s32 @!p0 $0xFFFFF086;
	s6 =	sadd.s32 @!p0 s3, s7;
	s7 =	simm.s32 @!p0 $0x108  }
0x21: {  	s3 =	sadd.s32 s3, s9;
	s6 =	sadd.s32 @!p0 $0x88, s6;
	s7 =	simm.s32 @p2 $0x1082  }
0x22: {  	[simem:s7], [sflag:s8] =	dma.local @!p0 [hbm:s6], $0xF7A  }
0x23: {  	s9 =	sor.u32 $0xD0000000, s2;
	s6 =	simm.s32 $0x108;
	_ =	swait.ge @!p0 [sflag:s8], $0x0  }
0x24: {  	s3 =	sadd.s32 $0x88, s3;
	s6 =	simm.s32 @!p1 $0x1082;
	[sflag:s4] =	ssyncset.s32 $0xFFFFF086  }
0x25: {  	[simem:s6], [sflag:s4] =	dma.local [hbm:s3], $0xF7A  }
0x26: {  	[smem:$0x3F9D] =	sst s1;
	(tag) =	ssettag s2;
	_ =	strace s9  }
0x27: {  	s1 =	sld [smem:$0x3FAD]  }
0x28: {  	s2 =	sld [smem:$0x3FAE]  }
0x29: {  	s4 =	sld [smem:$0x3FB0]  }
0x2a: {  	p0 =	seq.s32 s5, $0x0;
	s5 =	sld [smem:$0x3FB1]  }
0x2b: {  	s6 =	sld [smem:$0x3FB2]  }
0x2c: {  	s7 =	sld [smem:$0x3FB3]  }
0x2d: {  	s3 =	simm.s32 $0x108;
	s8 =	sld [smem:$0x3FB4]  }
0x2e: {  	s3 =	simm.s32 @!p0 $0x1082;
	s9 =	sld [smem:$0x3FB5]  }
0x2f: {  	lr =	sadd.s32 s0, s3;
	s0 =	sld [smem:$0x3FAC]  }
0x30: {  	s3 =	sld [smem:$0x3FAF]  }
0x31: {  	[smem:$0x3FB8] =	sst s10  }
0x32: {  	s10 =	sld [smem:$0x3FB6];
	_ =	sdelay $0x3  }
0x33: {  	p0 =	seq.s32 s10, $0x1;
	s10 =	sld [smem:$0x3FB8];
	_ =	sdelay $0x3  }
0x34: {  	[smem:$0x3FB8] =	sst s10  }
0x35: {  	s10 =	sld [smem:$0x3FB7];
	_ =	sdelay $0x3  }
0x36: {  	p1 =	seq.s32 s10, $0x1;
	s10 =	sld [smem:$0x3FB8];
	_ =	sdelay $0x3  }
0x37: {  	[smem:$0x3FB8] =	sst s10  }
0x38: {  	s10 =	sld [smem:$0x3FB9]  }
0x39: {  	_ = 	snop;
	(pc) =	sbr.ind lr, $3  }
0x3a: {  	_ = 	snop  }
0x3b: {  	_ = 	snop  }
0x3c: {  	p2 =	seq.s32 s10, $0x1;
	s10 =	sld [smem:$0x3FB8]  }
0x3d: {  	_ =	shalt  }
0x3e: {  	_ =	shalt  }
0x3f: {  	_ =	shalt  }
0x40: {  	_ =	shalt  }
0x41: {  	_ =	shalt  }
0x42: {  	_ =	shalt  }
0x43: {  	_ =	shalt  }
0x44: {  	_ =	shalt  }
0x45: {  	_ =	shalt  }
0x46: {  	_ =	shalt  }
0x47: {  	_ =	shalt  }
0x48: {  	_ =	shalt  }
0x49: {  	_ =	shalt  }
0x4a: {  	_ =	shalt  }
0x4b: {  	_ =	shalt  }
0x4c: {  	_ =	shalt  }
0x4d: {  	_ =	shalt  }
0x4e: {  	_ =	shalt  }
0x4f: {  	_ =	shalt  }
0x50: {  	_ =	shalt  }
0x51: {  	_ =	shalt  }
0x52: {  	_ =	shalt  }
0x53: {  	_ =	shalt  }
0x54: {  	_ =	shalt  }
0x55: {  	_ =	shalt  }
0x56: {  	_ =	shalt  }
0x57: {  	_ =	shalt  }
0x58: {  	_ =	shalt  }
0x59: {  	_ =	shalt  }
0x5a: {  	_ =	shalt  }
0x5b: {  	_ =	shalt  }
0x5c: {  	_ =	shalt  }
0x5d: {  	_ =	shalt  }
0x5e: {  	_ =	shalt  }
0x5f: {  	_ =	shalt  }
0x60: {  	_ =	shalt  }
0x61: {  	_ =	shalt  }
0x62: {  	_ =	shalt  }
0x63: {  	_ =	shalt  }
0x64: {  	_ =	shalt  }
0x65: {  	_ =	shalt  }
0x66: {  	_ =	shalt  }
0x67: {  	_ =	shalt  }
0x68: {  	_ =	shalt  }
0x69: {  	_ =	shalt  }
0x6a: {  	_ =	shalt  }
0x6b: {  	_ =	shalt  }
0x6c: {  	_ =	shalt  }
0x6d: {  	_ =	shalt  }
0x6e: {  	_ =	shalt  }
0x6f: {  	_ =	shalt  }
0x70: {  	_ =	shalt  }
0x71: {  	_ =	shalt  }
0x72: {  	_ =	shalt  }
0x73: {  	_ =	shalt  }
0x74: {  	_ =	shalt  }
0x75: {  	_ =	shalt  }
0x76: {  	_ =	shalt  }
0x77: {  	_ =	shalt  }
0x78: {  	_ =	shalt  }
0x79: {  	_ =	shalt  }
0x7a: {  	_ =	shalt  }
0x7b: {  	_ =	shalt  }
0x7c: {  	_ =	shalt  }
0x7d: {  	_ =	shalt  }
0x7e: {  	_ =	shalt  }
0x7f: {  	_ =	shalt  }
0x80: {  	_ =	shalt  }
0x81: {  	_ =	shalt  }
0x82: {  	_ =	shalt  }
0x83: {  	_ =	shalt  }
0x84: {  	_ =	shalt  }
0x85: {  	_ =	shalt  }
0x86: {  	_ =	shalt  }
0x87: {  	_ =	shalt  }
.Lfunc_end0:
.L_simem_size_0:
called_computation_lowered:
.L_overlay_start_0:
0x88: {  	s2 =	sld [smem:$0x3FD9]  }
0x89: {  	s3 =	sld [smem:$0x3FFE];
	_ =	sdelay $0x1  }
0x8a: {  	s1 =	srdreg.scid  }
0x8b: {  	s0 =	sand.u32 $0x1, s1  }
0x8c: {  	s17 =	sshll.u32 s0, $0xA;
	s2 =	sadd.s32 s3, s2  }
0x8d: {  	s2 =	sadd.s32 s2, s17  }
0x8e: {  	[smem:$0x3FC4] =	sst s2  }
0x8f: {  	_ = 	snop  }
0x90: {  	s2 =	sld [smem:$0x3FC8]  }
0x91: {  	s18 =	sld [smem:$0x3FD0];
	(tm) =	ssettm $0x1  }
0x92: {  	s4 =	sld [smem:$0x3FFB];
	_ =	sdelay $0x3  }
0x93: {  	_ =	strace s4  }
0x94: {  	s4 =	sld [smem:$0x3FFC];
	_ =	sdelay $0x3  }
0x95: {  	_ =	strace s4  }
0x96: {  	s4 =	sld [smem:$0x3FFD];
	_ =	sdelay $0x3  }
0x97: {  	_ =	strace s4  }
0x98: {  	_ =	strace $0x8FFFFFFF  }
0x99: {  	s19 =	sld [smem:$0x3FDB];
	_ =	sdelay $0x1  }
0x9a: {  	s5 =	simm.s32 $_scs_section_size  }
0x9b: {  	s6 =	simm.s32 $_size__tile_overlayer_lowered;
	s7 =	simm.s32 $_tile_overlayer_lowered  }
0x9c: {  	s22 =	simm.s32 $0x1BFF;
	s21 =	sshll.u32 s7, $0x1;
	s4 =	sadd.s32 s5, s19  }
0x9d: {  	s8 =	simm.s32 $0x0;
	s20 =	sshll.u32 s6, $0x1;
	s6 =	sadd.s32 s21, s4  }
0x9e: {  	[timem:s8], [sflag:s22] =	dma.local [hbm:s6], s20  }
0x9f: {  	_ =	swait.ge [sflag:s22], s20  }
0xa0: {  	s5 =	ssub.s32 $0x0, s20;
	[sflag:s22] =	ssyncset.done $0x0  }
0xa1: {  	[sflag:s22] =	ssyncadd.s32 s5;
	_ =	sdelay $0x1  }
0xa2: {  	s23 =	simm.s32 $0x1B8B  }
0xa3: {  	_ =	swait.ge [sflag:s23], $0x1  }
0xa4: {  	[sflag:s23] =	ssyncset.done $0x0  }
0xa5: {  	s25 =	simm.s32 $0x1B8E;
	s24 =	sld [smem:$0x3FFE];
	[sflag:s23] =	ssyncadd.s32 $0xFFFFFFFF  }
0xa6: {  	s26 =	simm.s32 $execute0_lowered;
	[smem:$0x3FD2] =	sst s25  }
0xa7: {  	s6 =	sshll.u32 s26, $0x1;
	_ =	strace $0x80000046;
	[dreg:$0x1] =	wrdreg $0xFFFFFFFF  }
0xa8: {  	s28 =	simm.s32 $_size_execute0_lowered;
	s4 =	sadd.s32 s4, s6;
	[dreg:$0x0] =	wrdreg $0x0  }
0xa9: {  	s6 =	sshll.u32 s28, $0x1;
	[dreg:$0x2] =	wrdreg s4  }
0xaa: {  	[dreg:$0x3] =	wrdreg s6  }
0xab: {  	[dreg:$0x4] =	wrdreg $0xC0  }
0xac: {  	_ =	task [dreg:s8], $0x5FFFF  }
0xad: {  	[dreg:$0x1] =	wrdreg $0xFFFFFFFF  }
0xae: {  	[dreg:$0x0] =	wrdreg $0x60  }
0xaf: {  	[dreg:$0x2] =	wrdreg s2  }
0xb0: {  	[dreg:$0x3] =	wrdreg s18  }
0xb1: {  	[dreg:$0x4] =	wrdreg s24  }
0xb2: {  	[dreg:$0x5] =	wrdreg $0x0  }
0xb3: {  	[dreg:$0x6] =	wrdreg $0x9  }
0xb4: {  	_ =	task.clear_ibuf [dreg:s8], $0x7FFFF;
	_ =	strace $0x90000046  }
0xb5: {  	s29 =	simm.s32 $0x9;
	_ =	strace $0x80000048  }
0xb6: {  	_ =	swait.ge [sflag:s29], $0x1  }
0xb7: {  	[sflag:s29] =	ssyncadd.s32 $0xFFFFFFFF  }
0xb8: {  	_ =	strace $0x90000048  }
0xb9: {  	_ =	sfence  }
0xba: {  	s30 =	sld [smem:$0x0];
	_ =	sdelay $0x2  }
0xbb: {  	s31 =	sshll.u32 s1, $0xD;
	s1 =	sshrl.u32 s1, $0x2  }
0xbc: {  	s3 =	sand.u32 $0x4000, s31;
	s1 =	sadd.s32 s1, s30  }
0xbd: {  	s0 =	sor.u32 s3, s0;
	s1 =	sshll.u32 s1, $0x11  }
0xbe: {  	s0 =	sor.u32 s1, s0  }
0xbf: {  	s0 =	sadd.s32 $0x8F2B, s0  }
0xc0: {  	[sflag:s0] =	ssyncadd.remote.s32 $0x1  }
0xc1: {  	_ =	sfence.sel $0xFFFF  }
0xc2: {  	[dreg:$0x0] =	wrdreg $0xFFFFFFFF;
	(pc) =	sbr.abs _section_cstart, $3  }
0xc3: {  	[dreg:$0x1] =	wrdreg $0xFFFFFFFF  }
0xc4: {  	_ =	task.clear_ibuf [dreg:s8], $0x2FFFF;
	_ =	strace $0x9FFFFFFF  }
0xc5: {  	(tm) =	ssettm $0x7FFFFFFF  }
tec
execute0_lowered:
.L_overlay_start_1:
0x0: {  	(tag) =	ssettag $0x1  }
0x1: {  	s0 =	rddreg [dreg:$0x0]  }
0x2: {  	s12 =	rddreg [dreg:$0x1]  }
0x3: {  	s5 =	rddreg [dreg:$0x2]  }
0x4: {  	s1 =	rddreg [dreg:$0x3];
	s2 =	simm.s32 $0x0;
	s23 =	stileid.u32  }
0x5: {  	s3 =	srdreg.scid;
	s22 =	simm.s32 $0x1;
	s9 =	smul.u32 $0x5, s23  }
0x6: {  	[smem:$0x7FF] =	sst s2;
	s16 =	sand.u32 $0x1, s3;
	s10 =	smul.u32 $0xA00, s23  }
0x7: {  	s17 =	sadd.s32 $0x2400, s5;
	s20 =	smul.u32 $0x50, s23;
	s30 =	sshll.u32 s23, $0x5  }
0x8: {  	s21 =	sshll.u32 s23, $0x4;
	_ =	strace $0x80000047;
	s6 =	sshll.u32 s16, $0x8  }
0x9: {  	s7 =	ssub.s32 $0x2, s16;
	s4 =	sshll.u32 s16, $0x4;
	p0 =	seq.s32 s16, $0x0  }
0xa: {  	s16 =	sshll.u32 s16, $0x9;
	s8 =	sshrl.u32 s7, $0x1;
	s4 =	sor.u32 s23, s4  }
0xb: {  	s18 =	sadd.s32 s6, s5;
	s25 =	sshrl.u32 s10, $0x2;
	s13 =	sadd.s32 $0x1, s9  }
0xc: {  	s14 =	sadd.s32 $0x2, s9;
	s15 =	sadd.s32 $0x3, s9;
	s19 =	sadd.s32 $0x4, s9  }
0xd: {  	s17 =	smov.u32 @p0 s12;
	s0 =	sadd.s32 s16, s0;
	s23 =	simm.s32 $0x80  }
0xe: {  	s24 =	ssub.s32 s7, s8;
	s5 =	ssub.s32 $0x9C4, s4;
	s7 =	sadd.s32 s25, s1  }
0xf: {  	s26 =	sshll.u32 s13, $0x7;
	s28 =	sshll.u32 s14, $0x7;
	s11 =	sshll.u32 s15, $0x7  }
0x10: {  	s29 =	sshll.u32 s19, $0x7;
	s13 =	sshll.u32 s13, $0x4;
	s14 =	sshll.u32 s14, $0x4  }
0x11: {  	s15 =	sshll.u32 s15, $0x4;
	s19 =	sshll.u32 s19, $0x4;
	s12 =	sadd.s32 s17, s20  }
0x12: {  	s31 =	sadd.s32 s21, s18;
	s20 =	simm.s32 $0xA200;
	s21 =	simm.s32 $0x3  }
0x13: {  	s25 =	simm.s32 $0x4;
	s6 =	smax.u32 s24, $0x1;
	s8 =	sadd.s32 s26, s1  }
0x14: {  	s9 =	sadd.s32 s28, s1;
	s10 =	sadd.s32 s11, s1;
	s11 =	sadd.s32 s29, s1  }
0x15: {  	s13 =	sadd.s32 s17, s13;
	s14 =	sadd.s32 s17, s14;
	s15 =	sadd.s32 s17, s15  }
0x16: {  	s16 =	sadd.s32 s17, s19;
	s17 =	sadd.s32 s30, s0;
	s18 =	sadd.s32 $0x2A00, s31  }
0x17: {  	v0 =	vimm.f32 $0.0e+00;
	v1 =	vimm.f32 $1.000000000e+00;
	s19 =	sadd.s32 $0xC800, s31;
	s24 =	simm.s32 $0xA180;
	s26 =	simm.s32 $0x0  }
.LBB2_1:
0x18: {  	s28 =	simm.s32 $0x400;
	p1 =	sgt.u32 s4, $0x9C3;
	s29 =	sadd.s32 $0x20, s4  }
0x19: {  	s30 =	simm.s32 @!p1 $0x280;
	s31 =	sadd.s32 @!p1 $0x0, s17;
	s0 =	simm.s32 @!p1 $0x0  }
.LBB2_2:
0x1a: {  	[tilespmem:s30], [sflag:$0x1] =	stream.linear.gather @!p1 [hbm4b:s31+s0], $0x100, $0x38;
	[tilespmem:$0xA280] =	vst v63  }
0x1b: {  	s0 =	smov.u32 s28;
	s28 =	sadd.s32 $0x400, s28  }
0x1c: {  	p2 =	sne.s32 s28, $0x13C00  }
.Ltmp0:
0x1d: {  	(pc) =	sbr.rel @p2 .LBB2_2-.Ltmp0, $4  }
0x1e: {  	_ = 	snop  }
0x1f: {  	p1 =	sgt.u32 s29, $0x9C3  }
0x20: {  	s29 =	sadd.s32 $0x20, s29;
	s30 =	sshra.s32 @!p1 s0, $0x2  }
0x21: {  	s31 =	sadd.s32 @!p1 s0, s17;
	s0 =	simm.s32 @!p1 $0x0;
	s30 =	sadd.s32 @!p1 $0x280, s30  }
0x22: {  	[tilespmem:s30], [sflag:$0x1] =	stream.linear.gather @!p1 [hbm4b:s31+s0], $0x100, $0x38;
	[tilespmem:$0xA280] =	vst v63  }
0x23: {  	[tilespmem:$0xA200] =	vst v0  }
0x24: {  	[tilespmem:$0xA210] =	vst v0  }
0x25: {  	[tilespmem:$0xA220] =	vst v0  }
0x26: {  	[tilespmem:$0xA230] =	vst v0  }
0x27: {  	[tilespmem:$0xA240] =	vst v0  }
0x28: {  	[tilespmem:$0xA250] =	vst v0  }
0x29: {  	[tilespmem:$0xA260] =	vst v0  }
0x2a: {  	[tilespmem:$0xA270] =	vst v0  }
0x2b: {  	[tilespmem:$0xA180] =	vst v1  }
0x2c: {  	[tilespmem:$0xA190] =	vst v1  }
0x2d: {  	[tilespmem:$0xA1A0] =	vst v1  }
0x2e: {  	[tilespmem:$0xA1B0] =	vst v1  }
0x2f: {  	[tilespmem:$0xA1C0] =	vst v1  }
0x30: {  	[tilespmem:$0xA1D0] =	vst v1  }
0x31: {  	[tilespmem:$0xA1E0] =	vst v1  }
0x32: {  	[tilespmem:$0xA1F0] =	vst v1  }
0x33: {  	[spmem:s7] =	stream.linear.scatter [tilespmem:s20], [sflag:$0x3], $0x80, $0x38;
	[tilespmem:$0xA280] =	vst v63  }
0x34: {  	_ =	swait.ge [sflag:s21], $0x80  }
0x35: {  	[sflag:s21] =	ssyncset.done $0x0  }
0x36: {  	[sflag:s21] =	ssyncadd.s32 $0xFFFFFF80  }
0x37: {  	[spmem:s8] =	stream.linear.scatter [tilespmem:s20], [sflag:$0x3], $0x80, $0x38;
	[tilespmem:$0xA280] =	vst v63  }
0x38: {  	_ =	swait.ge [sflag:s21], $0x80  }
0x39: {  	[sflag:s21] =	ssyncset.done $0x0  }
0x3a: {  	[sflag:s21] =	ssyncadd.s32 $0xFFFFFF80  }
0x3b: {  	[spmem:s9] =	stream.linear.scatter [tilespmem:s20], [sflag:$0x3], $0x80, $0x38;
	[tilespmem:$0xA280] =	vst v63  }
0x3c: {  	_ =	swait.ge [sflag:s21], $0x80  }
0x3d: {  	[sflag:s21] =	ssyncset.done $0x0  }
0x3e: {  	[sflag:s21] =	ssyncadd.s32 $0xFFFFFF80  }
0x3f: {  	[spmem:s10] =	stream.linear.scatter [tilespmem:s20], [sflag:$0x3], $0x80, $0x38;
	[tilespmem:$0xA280] =	vst v63  }
0x40: {  	_ =	swait.ge [sflag:s21], $0x80  }
0x41: {  	[sflag:s21] =	ssyncset.done $0x0  }
0x42: {  	[sflag:s21] =	ssyncadd.s32 $0xFFFFFF80  }
0x43: {  	[spmem:s11] =	stream.linear.scatter [tilespmem:s20], [sflag:$0x3], $0x80, $0x38;
	[tilespmem:$0xA280] =	vst v63  }
.Ltmp1:
0x44: {  	_ =	swait.ge [sflag:s21], $0x80;
	(pc) =	sbr.rel .LBB2_4-.Ltmp1, $4  }
0x45: {  	[sflag:s21] =	ssyncset.done $0x0  }
0x46: {  	[sflag:s21] =	ssyncadd.s32 $0xFFFFFF80  }
0x47: {  	[bflag:$0x0] =	sbarrier.arrive $0xFFFF  }
0x48: {  	s28 =	simm.s32 $0x0;
	s29 =	simm.s32 $0x280;
	s30 =	smov.u32 s4  }
.LBB2_6:
0x49: {  	s28 =	sadd.s32 $0x200, s28  }
0x4a: {  	p1 =	sne.s32 s28, $0x9E00  }
.Ltmp2:
0x4b: {  	_ = 	snop;
	(pc) =	sbr.rel @!p1 .LBB2_7-.Ltmp2, $2  }
0x4c: {  	_ =	sdelay $0x2  }
0x4d: {  	s29 =	sadd.s32 $0x100, s29;
	s30 =	sadd.s32 $0x20, s30  }
.LBB2_4:
0x4e: {  	p1 =	sgt.u32 s30, $0x9C3  }
.Ltmp3:
0x4f: {  	_ = 	snop;
	(pc) =	sbr.rel @p1 .LBB2_6-.Ltmp3, $1  }
0x50: {  	_ =	sdelay $0x3  }
0x51: {  	_ =	swait.ge [sflag:s22], $0x100  }
0x52: {  	[sflag:s22] =	ssyncset.done $0x0  }
0x53: {  	[sflag:s22] =	ssyncadd.s32 $0xFFFFFF00  }
0x54: {  	v2 =	vld [tilespmem:s29+$0x0]  }
0x55: {  	v3 =	vld [tilespmem:s29+$0x80];
	_ =	sdelay $0x4  }
0x56: {  	vm0 =	veq.s32 v2, v3  }
0x57: {  	s0 =	sshra.s32 s28, $0x2;
	v2 =	vsel vm0, $0x2710, v2  }
0x58: {  	[tilespmem:s0+$0x7980] =	vst v2;
	v2 =	vsel vm0, $0x2710, v3  }
0x59: {  	[tilespmem:s0+$0x5180] =	vst v2  }
0x5a: {  	v2 =	vld [tilespmem:s29+$0x10]  }
0x5b: {  	v3 =	vld [tilespmem:s29+$0x90];
	_ =	sdelay $0x4  }
0x5c: {  	vm9 =	veq.s32 v2, v3  }
0x5d: {  	v2 =	vsel vm9, $0x2710, v2  }
0x5e: {  	[tilespmem:s0+$0x7990] =	vst v2;
	v2 =	vsel vm9, $0x2710, v3  }
0x5f: {  	[tilespmem:s0+$0x5190] =	vst v2  }
0x60: {  	v2 =	vld [tilespmem:s29+$0x20]  }
0x61: {  	v3 =	vld [tilespmem:s29+$0xA0];
	_ =	sdelay $0x4  }
0x62: {  	vm10 =	veq.s32 v2, v3  }
0x63: {  	v2 =	vsel vm10, $0x2710, v2  }
0x64: {  	[tilespmem:s0+$0x79A0] =	vst v2;
	v2 =	vsel vm10, $0x2710, v3  }
0x65: {  	[tilespmem:s0+$0x51A0] =	vst v2  }
0x66: {  	v2 =	vld [tilespmem:s29+$0x30]  }
0x67: {  	v3 =	vld [tilespmem:s29+$0xB0];
	_ =	sdelay $0x4  }
0x68: {  	vm11 =	veq.s32 v2, v3  }
0x69: {  	v2 =	vsel vm11, $0x2710, v2  }
0x6a: {  	[tilespmem:s0+$0x79B0] =	vst v2;
	v2 =	vsel vm11, $0x2710, v3  }
0x6b: {  	[tilespmem:s0+$0x51B0] =	vst v2  }
0x6c: {  	v2 =	vld [tilespmem:s29+$0x40]  }
0x6d: {  	v3 =	vld [tilespmem:s29+$0xC0];
	_ =	sdelay $0x4  }
0x6e: {  	vm12 =	veq.s32 v2, v3  }
0x6f: {  	v2 =	vsel vm12, $0x2710, v2  }
0x70: {  	[tilespmem:s0+$0x79C0] =	vst v2;
	v2 =	vsel vm12, $0x2710, v3  }
0x71: {  	[tilespmem:s0+$0x51C0] =	vst v2  }
0x72: {  	v2 =	vld [tilespmem:s29+$0x50]  }
0x73: {  	v3 =	vld [tilespmem:s29+$0xD0];
	_ =	sdelay $0x4  }
0x74: {  	vm13 =	veq.s32 v2, v3  }
0x75: {  	v2 =	vsel vm13, $0x2710, v2  }
0x76: {  	[tilespmem:s0+$0x79D0] =	vst v2;
	v2 =	vsel vm13, $0x2710, v3  }
0x77: {  	[tilespmem:s0+$0x51D0] =	vst v2  }
0x78: {  	v2 =	vld [tilespmem:s29+$0x60]  }
0x79: {  	v3 =	vld [tilespmem:s29+$0xE0];
	_ =	sdelay $0x4  }
0x7a: {  	vm14 =	veq.s32 v2, v3  }
0x7b: {  	v2 =	vsel vm14, $0x2710, v2  }
0x7c: {  	[tilespmem:s0+$0x79E0] =	vst v2;
	v2 =	vsel vm14, $0x2710, v3  }
0x7d: {  	[tilespmem:s0+$0x51E0] =	vst v2  }
0x7e: {  	v2 =	vld [tilespmem:s29+$0x70]  }
0x7f: {  	v3 =	vld [tilespmem:s29+$0xF0];
	_ =	sdelay $0x4  }
0x80: {  	vm15 =	veq.s32 v2, v3  }
0x81: {  	v2 =	vsel vm15, $0x2710, v2  }
0x82: {  	[tilespmem:s0+$0x79F0] =	vst v2;
	v2 =	vsel vm15, $0x2710, v3  }
0x83: {  	s31 =	sadd.s32 s28, s18;
	[tilespmem:s0+$0x51F0] =	vst v2  }
0x84: {  	[hbm4b:s31+s2] =	stream.linear.scatter [tilespmem:s29], [sflag:$0x2], $0x80, $0x38;
	[tilespmem:$0xA280] =	vst v63  }
.Ltmp4:
0x85: {  	_ = 	snop;
	(pc) =	sbr.rel .LBB2_6-.Ltmp4, $4  }
0x86: {  	s3 =	sadd.s32 s28, s19;
	s31 =	sadd.s32 $0x5180, s0  }
0x87: {  	[hbm4b:s3+s2] =	stream.linear.scatter [tilespmem:s31], [sflag:$0x2], $0x80, $0x38;
	[tilespmem:$0xA280] =	vst v63  }
0x88: {  	s0 =	sadd.s32 $0x7980, s0  }
0x89: {  	[spmem:s1] =	stream.indirect.scatter.add.f32 [tilespmem:s24], [sflag:$0x1], $0x1, s0, s23, $0xb8;
	[tilespmem:$0xA280] =	vst v63  }
.LBB2_7:
0x8a: {  	p1 =	sle.u32 s5, $0x0  }
0x8b: {  	s0 =	simm.s32 @!p1 $0x1;
	p1 =	por p1, p1  }
0x8c: {  	_ =	swait.ge @!p1 [sflag:s0], $0x80  }
0x8d: {  	[sflag:s0] =	ssyncset.done @!p1 $0x0  }
0x8e: {  	s29 =	simm.s32 @!p1 $0x2;
	[sflag:s0] =	ssyncadd.s32 @!p1 $0xFFFFFF80  }
0x8f: {  	_ =	swait.ge @!p1 [sflag:s29], $0x80  }
0x90: {  	[sflag:s29] =	ssyncset.done @!p1 $0x0  }
0x91: {  	[sflag:s29] =	ssyncadd.s32 @!p1 $0xFFFFFF80  }
0x92: {  	_ =	swait.ge @!p1 [sflag:s29], $0x80  }
0x93: {  	s28 =	simm.s32 $0x40;
	p3 =	sle.u32 s5, $0x20;
	[sflag:s29] =	ssyncset.done @!p1 $0x0  }
.LBB2_8:
0x94: {  	s0 =	simm.s32 @!p3 $0x1;
	[sflag:s29] =	ssyncadd.s32 @!p1 $0xFFFFFF80  }
0x95: {  	s3 =	smov.u32 s28;
	s28 =	sadd.s32 $0x20, s28;
	p1 =	por p3, p3  }
0x96: {  	p2 =	sne.s32 s28, $0x9E0;
	_ =	swait.ge @!p1 [sflag:s0], $0x80  }
0x97: {  	[sflag:s0] =	ssyncset.done @!p1 $0x0  }
0x98: {  	s29 =	simm.s32 @!p1 $0x2;
	[sflag:s0] =	ssyncadd.s32 @!p1 $0xFFFFFF80  }
.Ltmp5:
0x99: {  	_ =	swait.ge @!p1 [sflag:s29], $0x80;
	(pc) =	sbr.rel @p2 .LBB2_8-.Ltmp5, $4  }
0x9a: {  	[sflag:s29] =	ssyncset.done @!p1 $0x0  }
0x9b: {  	[sflag:s29] =	ssyncadd.s32 @!p1 $0xFFFFFF80  }
0x9c: {  	_ =	swait.ge @!p1 [sflag:s29], $0x80  }
0x9d: {  	p3 =	sge.u32 s3, s5;
	[sflag:s29] =	ssyncset.done @!p1 $0x0  }
0x9e: {  	s0 =	simm.s32 @!p3 $0x1;
	[sflag:s29] =	ssyncadd.s32 @!p1 $0xFFFFFF80;
	p1 =	por p3, p3  }
0x9f: {  	_ =	swait.ge @!p1 [sflag:s0], $0x80  }
0xa0: {  	[sflag:s0] =	ssyncset.done @!p1 $0x0  }
0xa1: {  	[sflag:s0] =	ssyncadd.s32 @!p1 $0xFFFFFF80;
	s0 =	simm.s32 @!p1 $0x2  }
0xa2: {  	_ =	swait.ge @!p1 [sflag:s0], $0x80  }
0xa3: {  	[sflag:s0] =	ssyncset.done @!p1 $0x0  }
0xa4: {  	[sflag:s0] =	ssyncadd.s32 @!p1 $0xFFFFFF80  }
0xa5: {  	_ =	swait.ge @!p1 [sflag:s0], $0x80  }
0xa6: {  	[sflag:s0] =	ssyncset.done @!p1 $0x0  }
0xa7: {  	[sflag:s0] =	ssyncadd.s32 @!p1 $0xFFFFFF80  }
0xa8: {  	[bflag:$0x0] =	sbarrier.arrive $0xFFFF  }
0xa9: {  	[tilespmem:s20], [sflag:$0x4] =	stream.linear.gather [spmem:s7], $0x80, $0x38;
	[tilespmem:$0xA280] =	vst v63  }
0xaa: {  	_ =	swait.ge [sflag:s25], $0x80  }
0xab: {  	s0 =	simm.s32 $0x4;
	[sflag:s25] =	ssyncset.done $0x0  }
0xac: {  	s0 =	simm.s32 @!p0 $0x3;
	[sflag:s25] =	ssyncadd.s32 $0xFFFFFF80  }
0xad: {  	[hbm4b:s12+s2] =	stream.linear.scatter [tilespmem:s20], [sflag:s0], $0x80, $0x38;
	[tilespmem:$0xA280] =	vst v63  }
0xae: {  	_ =	swait.ge [sflag:s0], $0x80  }
0xaf: {  	[sflag:s0] =	ssyncset.done $0x0  }
0xb0: {  	[sflag:s0] =	ssyncadd.s32 $0xFFFFFF80  }
0xb1: {  	[tilespmem:s20], [sflag:$0x4] =	stream.linear.gather [spmem:s8], $0x80, $0x38;
	[tilespmem:$0xA280] =	vst v63  }
0xb2: {  	_ =	swait.ge [sflag:s25], $0x80  }
0xb3: {  	[sflag:s25] =	ssyncset.done $0x0  }
0xb4: {  	[sflag:s25] =	ssyncadd.s32 $0xFFFFFF80  }
0xb5: {  	[hbm4b:s13+s2] =	stream.linear.scatter [tilespmem:s20], [sflag:s0], $0x80, $0x38;
	[tilespmem:$0xA280] =	vst v63  }
0xb6: {  	_ =	swait.ge [sflag:s0], $0x80  }
0xb7: {  	[sflag:s0] =	ssyncset.done $0x0  }
0xb8: {  	[sflag:s0] =	ssyncadd.s32 $0xFFFFFF80  }
0xb9: {  	[tilespmem:s20], [sflag:$0x4] =	stream.linear.gather [spmem:s9], $0x80, $0x38;
	[tilespmem:$0xA280] =	vst v63  }
0xba: {  	_ =	swait.ge [sflag:s25], $0x80  }
0xbb: {  	[sflag:s25] =	ssyncset.done $0x0  }
0xbc: {  	[sflag:s25] =	ssyncadd.s32 $0xFFFFFF80  }
0xbd: {  	[hbm4b:s14+s2] =	stream.linear.scatter [tilespmem:s20], [sflag:s0], $0x80, $0x38;
	[tilespmem:$0xA280] =	vst v63  }
0xbe: {  	_ =	swait.ge [sflag:s0], $0x80  }
0xbf: {  	[sflag:s0] =	ssyncset.done $0x0  }
0xc0: {  	[sflag:s0] =	ssyncadd.s32 $0xFFFFFF80  }
0xc1: {  	[tilespmem:s20], [sflag:$0x4] =	stream.linear.gather [spmem:s10], $0x80, $0x38;
	[tilespmem:$0xA280] =	vst v63  }
0xc2: {  	_ =	swait.ge [sflag:s25], $0x80  }
0xc3: {  	[sflag:s25] =	ssyncset.done $0x0  }
0xc4: {  	[sflag:s25] =	ssyncadd.s32 $0xFFFFFF80  }
0xc5: {  	[hbm4b:s15+s2] =	stream.linear.scatter [tilespmem:s20], [sflag:s0], $0x80, $0x38;
	[tilespmem:$0xA280] =	vst v63  }
0xc6: {  	_ =	swait.ge [sflag:s0], $0x80  }
0xc7: {  	[sflag:s0] =	ssyncset.done $0x0  }
0xc8: {  	[sflag:s0] =	ssyncadd.s32 $0xFFFFFF80  }
0xc9: {  	[tilespmem:s20], [sflag:$0x4] =	stream.linear.gather [spmem:s11], $0x80, $0x38;
	[tilespmem:$0xA280] =	vst v63  }
0xca: {  	s26 =	sadd.s32 $0x1, s26;
	_ =	swait.ge [sflag:s25], $0x80  }
0xcb: {  	p1 =	sne.s32 s26, s6;
	[sflag:s25] =	ssyncset.done $0x0  }
.Ltmp6:
0xcc: {  	[sflag:s25] =	ssyncadd.s32 $0xFFFFFF80;
	(pc) =	sbr.rel @p1 .LBB2_1-.Ltmp6, $4  }
0xcd: {  	[hbm4b:s16+s2] =	stream.linear.scatter [tilespmem:s20], [sflag:s0], $0x80, $0x38;
	[tilespmem:$0xA280] =	vst v63  }
0xce: {  	_ =	swait.ge [sflag:s0], $0x80  }
0xcf: {  	[sflag:s0] =	ssyncset.done $0x0  }
0xd0: {  	[sflag:s0] =	ssyncadd.s32 $0xFFFFFF80  }
0xd1: {  	_ =	sfence.sel $0x180000  }
0xd2: {  	[bflag:$0x0] =	sbarrier.arrive $0xFFFF  }
0xd3: {  	_ =	strace $0x90000047  }
0xd4: {  	s0 =	stileid.u32;
	[bflag:$0x2] =	sbarrier.arrive $0xFFFF  }
0xd5: {  	p0 =	sne.s32 s0, $0x0;
	s0 =	rddreg [dreg:$0x4]  }
0xd6: {  	s0 =	sadd.s32 @!p0 $0x100000, s0  }
0xd7: {  	[sflag:s0] =	ssyncadd.tile.s32 @!p0 $0x1;
	_ =	shalt  }
.Lfunc_end2:
_tile_overlayer_lowered:
.L_overlay_start_2:
0xd8: {  	(tag) =	ssettag $0x2  }
0xd9: {  	s0 =	rddreg [dreg:$0x0];
	s2 =	stileid.u32  }
0xda: {  	s1 =	rddreg [dreg:$0x1];
	p0 =	sne.s32 s2, $0x0  }
0xdb: {  	s3 =	rddreg [dreg:$0x2];
	[bflag:$0x3] =	sbarrier.arrive $0xFFFF;
	s2 =	simm.s32 @!p0 $0x1C03  }
0xdc: {  	[timem:s3], [sflag:s2] =	dma.local @!p0 [hbm:s0], s1  }
0xdd: {  	s0 =	simm.s32 @!p0 $0x3  }
0xde: {  	_ =	swait.ge @!p0 [sflag:s0], s1  }
0xdf: {  	s1 =	ssub.s32 @!p0 $0x0, s1;
	[sflag:s0] =	ssyncset.done @!p0 $0x0  }
0xe0: {  	[sflag:s0] =	ssyncadd.s32 @!p0 s1  }
0xe1: {  	[bflag:$0x3] =	sbarrier.arrive $0xFFFF  }
0xe2: {  	_ =	shalt  }

</sc_bundles>
